<compile_context>
chip_gen: v7x
topology: tpu7x:2x2x1
jax: 0.10.2.dev20260603
libtpu: 0.0.44.dev20260713+nightly
codegen_flags: <defaults>
</compile_context>

<pallas_src>
import functools

import jax
import jax.numpy as jnp
from jax import lax
from jax.experimental import pallas as pl
from jax.experimental.pallas import tpu as pltpu
from jax.experimental.pallas import tpu_sc as plsc

N = 10000
E = 160000
D = 256
H = 256
O = 128

NC = 2
NS = 16
HALF = 128
K = 125
CPT = E // NS // K
CPH = CPT // 2
WT = 10
ZROWS = N // NS


def _segsum_sc(table2, gidx, didx, zrows):
  mesh = plsc.VectorSubcoreMesh(core_axis_name="c", subcore_axis_name="s")

  @functools.partial(
      pl.kernel,
      mesh=mesh,
      out_type=jax.ShapeDtypeStruct((NC, N, HALF), jnp.float32),
      scratch_types=[
          pltpu.VMEM((CPT, K), jnp.int32),
          pltpu.VMEM((CPH, K), jnp.int32),
          pltpu.VMEM((K, HALF), jnp.float32),
          pltpu.VMEM((K, HALF), jnp.float32),
          pltpu.VMEM_SHARED((N, HALF), jnp.float32),
          pltpu.SemaphoreType.DMA,
          pltpu.SemaphoreType.DMA,
      ],
  )
  def seg_kernel(table_hbm, gidx_hbm, didx_hbm, zrows_hbm, out_hbm,
                 src_v, dst_v, buf_a, buf_b, acc, sem_a, sem_b):
    c = lax.axis_index("c")
    s = lax.axis_index("s")

    pltpu.sync_copy(gidx_hbm.at[c, pl.ds(s * CPT, CPT), :], src_v)
    pltpu.sync_copy(didx_hbm.at[pl.ds(s * CPT, CPH), :], dst_v)
    pltpu.async_copy(table_hbm.at[src_v.at[0]], buf_a, sem_a)
    pltpu.sync_copy(zrows_hbm, acc.at[pl.ds(s * ZROWS, ZROWS), :])
    plsc.subcore_barrier()

    @pl.loop(0, CPT, step=2)
    def _chunks(j):
      @pl.when(j == CPH)
      def _():
        pltpu.sync_copy(didx_hbm.at[pl.ds(s * CPT + CPH, CPH), :], dst_v)

      jj = lax.select(j >= CPH, j - CPH, j)
      pltpu.make_async_copy(table_hbm.at[src_v.at[j]], buf_a, sem_a).wait()
      pltpu.async_copy(table_hbm.at[src_v.at[j + 1]], buf_b, sem_b)
      pltpu.sync_copy(buf_a, acc.at[dst_v.at[jj]], add=True)
      pltpu.make_async_copy(table_hbm.at[src_v.at[j + 1]], buf_b,
                            sem_b).wait()

      @pl.when(j + 2 < CPT)
      def _():
        pltpu.async_copy(table_hbm.at[src_v.at[j + 2]], buf_a, sem_a)

      pltpu.sync_copy(buf_b, acc.at[dst_v.at[jj + 1]], add=True)

    plsc.subcore_barrier()

    @pl.when(s < NS - 1)
    def _():
      pltpu.sync_copy(acc.at[pl.ds(s * 632, 632), :],
                      out_hbm.at[c, pl.ds(s * 632, 632), :])

    @pl.when(s == NS - 1)
    def _():
      pltpu.sync_copy(acc.at[pl.ds(632 * (NS - 1), N - 632 * (NS - 1)), :],
                      out_hbm.at[c, pl.ds(632 * (NS - 1),
                                          N - 632 * (NS - 1)), :])

  return seg_kernel(table2, gidx, didx, zrows)


def _conv_mm_tc(x, W_nbr, W_root):
  R = 1000

  def body(x_ref, wn_ref, wr_ref, m_ref, r_ref):
    mm = jnp.dot(x_ref[...], wn_ref[...], preferred_element_type=jnp.float32)
    m_ref[0] = mm[:, :HALF]
    m_ref[1] = mm[:, HALF:]
    r_ref[...] = jnp.dot(x_ref[...], wr_ref[...],
                         preferred_element_type=jnp.float32)

  return pl.pallas_call(
      body,
      grid=(N // R,),
      in_specs=[
          pl.BlockSpec((R, D), lambda i: (i, 0)),
          pl.BlockSpec((D, H), lambda i: (0, 0)),
          pl.BlockSpec((D, H), lambda i: (0, 0)),
      ],
      out_specs=[
          pl.BlockSpec((NC, R, HALF), lambda i: (0, i, 0)),
          pl.BlockSpec((R, H), lambda i: (i, 0)),
      ],
      out_shape=[
          jax.ShapeDtypeStruct((NC, N, HALF), jnp.float32),
          jax.ShapeDtypeStruct((N, H), jnp.float32),
      ],
  )(x, W_nbr, W_root)


def _conv2_tc(r1, agg1, b1, W_nbr2, W_root2):
  R = 1000

  def body(r1_ref, agg_ref, b_ref, wn_ref, wr_ref, m_ref, r_ref):
    h1 = jnp.concatenate(
        [r1_ref[:, :HALF] + agg_ref[0], r1_ref[:, HALF:] + agg_ref[1]],
        axis=1) + b_ref[...]
    mm = jnp.dot(h1, wn_ref[...], preferred_element_type=jnp.float32)
    m_ref[0] = mm[:, :HALF]
    m_ref[1] = mm[:, HALF:]
    r_ref[...] = jnp.dot(h1, wr_ref[...], preferred_element_type=jnp.float32)

  return pl.pallas_call(
      body,
      grid=(N // R,),
      in_specs=[
          pl.BlockSpec((R, H), lambda i: (i, 0)),
          pl.BlockSpec((NC, R, HALF), lambda i: (0, i, 0)),
          pl.BlockSpec((1, H), lambda i: (0, 0)),
          pl.BlockSpec((H, H), lambda i: (0, 0)),
          pl.BlockSpec((H, H), lambda i: (0, 0)),
      ],
      out_specs=[
          pl.BlockSpec((NC, R, HALF), lambda i: (0, i, 0)),
          pl.BlockSpec((R, H), lambda i: (i, 0)),
      ],
      out_shape=[
          jax.ShapeDtypeStruct((NC, N, HALF), jnp.float32),
          jax.ShapeDtypeStruct((N, H), jnp.float32),
      ],
  )(r1, agg1, b1.reshape(1, H), W_nbr2, W_root2)


def _tail_tc(r2, agg2, b2, W_ih0T, b_ih0, b_hh0, W_ih1T, b_ih1, b_hh1,
             W_fc, b_fc):
  R = 1000

  def gates(gi, bhh):
    r = jax.nn.sigmoid(gi[:, 0:H] + bhh[:, 0:H])
    z = jax.nn.sigmoid(gi[:, H:2 * H] + bhh[:, H:2 * H])
    n = jnp.tanh(gi[:, 2 * H:3 * H] + r * bhh[:, 2 * H:3 * H])
    return (1.0 - z) * n

  def body(r2_ref, agg_ref, b2_ref, wih0_ref, bih0_ref, bhh0_ref,
           wih1_ref, bih1_ref, bhh1_ref, wfc_ref, bfc_ref, out_ref):
    h2 = jnp.concatenate(
        [r2_ref[:, :HALF] + agg_ref[0], r2_ref[:, HALF:] + agg_ref[1]],
        axis=1) + b2_ref[...]
    gi0 = jnp.dot(h2, wih0_ref[...],
                  preferred_element_type=jnp.float32) + bih0_ref[...]
    o1 = gates(gi0, bhh0_ref[...])
    gi1 = jnp.dot(o1, wih1_ref[...],
                  preferred_element_type=jnp.float32) + bih1_ref[...]
    o2 = gates(gi1, bhh1_ref[...])
    out_ref[...] = jnp.dot(
        o2, wfc_ref[...], preferred_element_type=jnp.float32) + bfc_ref[...]

  full = lambda shape: pl.BlockSpec(shape, lambda i: tuple(0 for _ in shape))
  return pl.pallas_call(
      body,
      grid=(N // R,),
      in_specs=[
          pl.BlockSpec((R, H), lambda i: (i, 0)),
          pl.BlockSpec((NC, R, HALF), lambda i: (0, i, 0)),
          full((1, H)),
          full((H, 3 * H)),
          full((1, 3 * H)),
          full((1, 3 * H)),
          full((H, 3 * H)),
          full((1, 3 * H)),
          full((1, 3 * H)),
          full((H, O)),
          full((1, O)),
      ],
      out_specs=pl.BlockSpec((R, O), lambda i: (i, 0)),
      out_shape=jax.ShapeDtypeStruct((N, O), jnp.float32),
  )(r2, agg2, b2.reshape(1, H), W_ih0T, b_ih0.reshape(1, 3 * H),
    b_hh0.reshape(1, 3 * H), W_ih1T, b_ih1.reshape(1, 3 * H),
    b_hh1.reshape(1, 3 * H), W_fc, b_fc.reshape(1, O))


def kernel(x, edge_index, W_root1, W_nbr1, b1, W_root2, W_nbr2, b2,
           W_ih0, W_hh0, b_ih0, b_hh0, W_ih1, W_hh1, b_ih1, b_hh1,
           W_fc, b_fc):
  src = edge_index[0]
  dst = edge_index[1]
  gidx = jnp.stack([src, N + src]).reshape(NC, E // K, K)
  didx = dst.reshape(E // K, K)
  zrows = jnp.zeros((ZROWS, HALF), jnp.float32)

  m1, r1 = _conv_mm_tc(x, W_nbr1, W_root1)
  agg1 = _segsum_sc(m1.reshape(2 * N, HALF), gidx, didx, zrows)
  m2, r2 = _conv2_tc(r1, agg1, b1, W_nbr2, W_root2)
  agg2 = _segsum_sc(m2.reshape(2 * N, HALF), gidx, didx, zrows)
  return _tail_tc(r2, agg2, b2, W_ih0.T, b_ih0, b_hh0, W_ih1.T, b_ih1,
                  b_hh1, W_fc, b_fc)

# --- scband reference (transcript-rebuilt; emitter-appended) ---
"""Pipeline reference for scband-dcrnn-39230231282140 (READ-ONLY COPY).

The authoritative reference and input builder live on the scoring server;
editing this copy changes nothing except your own understanding.
"""

import jax, jax.numpy as jnp
import numpy as np

N = 10000
E = 160000
D = 256
H = 256
O = 128

def _graph_conv(x, src, dst, W_root, W_nbr, b):
    # PyG-style GraphConv with add aggregation: out_i = x_i @ W_root + sum_{j in N(i)} x_j @ W_nbr + b
    msg = jnp.take(x, src, axis=0) @ W_nbr
    agg = jax.ops.segment_sum(msg, dst, num_segments=N)
    return x @ W_root + agg + b

def _gru_cell(x, h, W_ih, W_hh, b_ih, b_hh):
    gi = x @ W_ih.T + b_ih
    gh = h @ W_hh.T + b_hh
    i_r, i_z, i_n = jnp.split(gi, 3, axis=-1)
    h_r, h_z, h_n = jnp.split(gh, 3, axis=-1)
    r = jax.nn.sigmoid(i_r + h_r)
    z = jax.nn.sigmoid(i_z + h_z)
    n = jnp.tanh(i_n + r * h_n)
    return (1.0 - z) * n + z * h

def setup_inputs(seed: int = 0):
    key = jax.random.key(seed)
    ks = jax.random.split(key, 20)
    s_d = 1.0 / np.sqrt(D)
    s_h = 1.0 / np.sqrt(H)
    inp = {}
    inp["x"] = jax.random.normal(ks[0], (N, D), dtype=jnp.float32)
    inp["edge_index"] = jax.random.randint(ks[1], (2, E), 0, N, dtype=jnp.int32)
    inp["W_root1"] = jax.random.normal(ks[2], (D, H), dtype=jnp.float32) * s_d
    inp["W_nbr1"] = jax.random.normal(ks[3], (D, H), dtype=jnp.float32) * s_d
    inp["b1"] = jnp.zeros((H,), dtype=jnp.float32)
    inp["W_root2"] = jax.random.normal(ks[4], (H, H), dtype=jnp.float32) * s_h
    inp["W_nbr2"] = jax.random.normal(ks[5], (H, H), dtype=jnp.float32) * s_h
    inp["b2"] = jnp.zeros((H,), dtype=jnp.float32)
    inp["W_ih0"] = jax.random.normal(ks[6], (3 * H, H), dtype=jnp.float32) * s_h
    inp["W_hh0"] = jax.random.normal(ks[7], (3 * H, H), dtype=jnp.float32) * s_h
    inp["b_ih0"] = jax.random.normal(ks[8], (3 * H,), dtype=jnp.float32) * s_h
    inp["b_hh0"] = jax.random.normal(ks[9], (3 * H,), dtype=jnp.float32) * s_h
    inp["W_ih1"] = jax.random.normal(ks[10], (3 * H, H), dtype=jnp.float32) * s_h
    inp["W_hh1"] = jax.random.normal(ks[11], (3 * H, H), dtype=jnp.float32) * s_h
    inp["b_ih1"] = jax.random.normal(ks[12], (3 * H,), dtype=jnp.float32) * s_h
    inp["b_hh1"] = jax.random.normal(ks[13], (3 * H,), dtype=jnp.float32) * s_h
    inp["W_fc"] = jax.random.normal(ks[14], (H, O), dtype=jnp.float32) * s_h
    inp["b_fc"] = jnp.zeros((O,), dtype=jnp.float32)
    return inp

def reference(x, edge_index, W_root1, W_nbr1, b1, W_root2, W_nbr2, b2,
              W_ih0, W_hh0, b_ih0, b_hh0, W_ih1, W_hh1, b_ih1, b_hh1, W_fc, b_fc):
    src = edge_index[0]
    dst = edge_index[1]
    h = _graph_conv(x, src, dst, W_root1, W_nbr1, b1)
    h = _graph_conv(h, src, dst, W_root2, W_nbr2, b2)
    # GRU over node features as [N, 1, H] (batch_first, seq_len=1, 2 layers);
    # x[:, -1, :] then selects the (only) timestep -> final hidden state per node.
    h0 = jnp.zeros_like(h)
    h = _gru_cell(h, h0, W_ih0, W_hh0, b_ih0, b_hh0)
    h = _gru_cell(h, h0, W_ih1, W_hh1, b_ih1, b_hh1)
    return h @ W_fc + b_fc

if __name__ == "__main__":
    import jax
    _d = setup_inputs()
    print(jax.jit(kernel)(*tuple(_d.values())))

</pallas_src>

<mosaic_0001>
#map = affine_map<(d0, d1) -> (0, 0)>
#map1 = affine_map<(d0, d1) -> (0, 0, 0)>
module attributes {stable_mosaic.version = 14 : i64} {
  func.func @seg_kernel(%arg0: i32, %arg1: i32, %arg2: memref<20000x128xf32, #tpu.memory_space<hbm>>, %arg3: memref<2x1280x125xi32, #tpu.memory_space<hbm>>, %arg4: memref<1280x125xi32, #tpu.memory_space<hbm>>, %arg5: memref<625x128xf32, #tpu.memory_space<hbm>>, %arg6: memref<2x10000x128xf32, #tpu.memory_space<hbm>>, %arg7: memref<80x125xi32, #tpu.memory_space<vmem>>, %arg8: memref<40x125xi32, #tpu.memory_space<vmem>>, %arg9: memref<125x128xf32, #tpu.memory_space<vmem>>, %arg10: memref<125x128xf32, #tpu.memory_space<vmem>>, %arg11: memref<10000x128xf32, #tpu.memory_space<vmem_shared>>, %arg12: memref<!tpu.dma_semaphore, #tpu.memory_space<semaphore_mem>>, %arg13: memref<!tpu.dma_semaphore, #tpu.memory_space<semaphore_mem>>) attributes {dimension_semantics = [#tpu.dimension_semantics<core_parallel>, #tpu.dimension_semantics<subcore_parallel>], iteration_bounds = array<i64: 2, 16>, scalar_prefetch = 0 : i64, scratch_operands = 7 : i64, tpu.core_type = #tpu.core_type<sc_vector_subcore>, window_params = [{transform_indices = #map}, {transform_indices = #map1}, {transform_indices = #map}, {transform_indices = #map}, {transform_indices = #map1}]} {
    %mul3A = arith.constant 80 : i32
    %mul3A_0 = arith.muli %arg1, %mul3A : i32
    "tpu.region"() ({
      %run_scoped3A = tpu.sem_alloc : memref<!tpu.dma_semaphore, #tpu.memory_space<semaphore_mem>>
      %dma_start3A_22 = arith.constant 0 : i32
      %dma_start3A_23 = tpu.memref_slice %arg3[%arg0, %mul3A_0, %dma_start3A_22] : memref<2x1280x125xi32, #tpu.memory_space<hbm>> -> memref<1x80x125xi32, #tpu.memory_space<hbm>>
      %dma_start3A_24 = tpu.memref_squeeze %dma_start3A_23 : memref<1x80x125xi32, #tpu.memory_space<hbm>> -> memref<80x125xi32, #tpu.memory_space<hbm>>
      %dma_start3A_25 = arith.constant 0 : i32
      %dma_start3A_26 = tpu.memref_slice %arg3[%arg0, %mul3A_0, %dma_start3A_25] : memref<2x1280x125xi32, #tpu.memory_space<hbm>> -> memref<1x80x125xi32, #tpu.memory_space<hbm>>
      %dma_start3A_27 = tpu.memref_squeeze %dma_start3A_26 : memref<1x80x125xi32, #tpu.memory_space<hbm>> -> memref<80x125xi32, #tpu.memory_space<hbm>>
      tpu.enqueue_dma source(%dma_start3A_27 : memref<80x125xi32, #tpu.memory_space<hbm>>) target(%arg7 : memref<80x125xi32, #tpu.memory_space<vmem>>) target_semaphore(%run_scoped3A : memref<!tpu.dma_semaphore, #tpu.memory_space<semaphore_mem>>)
      %dma_wait3A = arith.constant 0 : i32
      %dma_wait3A_28 = tpu.memref_slice %arg3[%arg0, %mul3A_0, %dma_wait3A] : memref<2x1280x125xi32, #tpu.memory_space<hbm>> -> memref<1x80x125xi32, #tpu.memory_space<hbm>>
      %dma_wait3A_29 = tpu.memref_squeeze %dma_wait3A_28 : memref<1x80x125xi32, #tpu.memory_space<hbm>> -> memref<80x125xi32, #tpu.memory_space<hbm>>
      %dma_wait3A_30 = arith.constant 0 : i32
      %dma_wait3A_31 = tpu.memref_slice %arg3[%arg0, %mul3A_0, %dma_wait3A_30] : memref<2x1280x125xi32, #tpu.memory_space<hbm>> -> memref<1x80x125xi32, #tpu.memory_space<hbm>>
      %dma_wait3A_32 = tpu.memref_squeeze %dma_wait3A_31 : memref<1x80x125xi32, #tpu.memory_space<hbm>> -> memref<80x125xi32, #tpu.memory_space<hbm>>
      tpu.wait_dma2 semaphore(%run_scoped3A : memref<!tpu.dma_semaphore, #tpu.memory_space<semaphore_mem>>) src(%dma_wait3A_32 : memref<80x125xi32, #tpu.memory_space<hbm>>) dst(%arg7 : memref<80x125xi32, #tpu.memory_space<vmem>>)
      tpu.yield
    }) : () -> ()
    %mul3A_1 = arith.constant 80 : i32
    %mul3A_2 = arith.muli %arg1, %mul3A_1 : i32
    "tpu.region"() ({
      %run_scoped3A = tpu.sem_alloc : memref<!tpu.dma_semaphore, #tpu.memory_space<semaphore_mem>>
      %dma_start3A_22 = arith.constant 0 : i32
      %dma_start3A_23 = tpu.memref_slice %arg4[%mul3A_2, %dma_start3A_22] : memref<1280x125xi32, #tpu.memory_space<hbm>> -> memref<40x125xi32, #tpu.memory_space<hbm>>
      %dma_start3A_24 = arith.constant 0 : i32
      %dma_start3A_25 = tpu.memref_slice %arg4[%mul3A_2, %dma_start3A_24] : memref<1280x125xi32, #tpu.memory_space<hbm>> -> memref<40x125xi32, #tpu.memory_space<hbm>>
      tpu.enqueue_dma source(%dma_start3A_25 : memref<40x125xi32, #tpu.memory_space<hbm>>) target(%arg8 : memref<40x125xi32, #tpu.memory_space<vmem>>) target_semaphore(%run_scoped3A : memref<!tpu.dma_semaphore, #tpu.memory_space<semaphore_mem>>)
      %dma_wait3A = arith.constant 0 : i32
      %dma_wait3A_26 = tpu.memref_slice %arg4[%mul3A_2, %dma_wait3A] : memref<1280x125xi32, #tpu.memory_space<hbm>> -> memref<40x125xi32, #tpu.memory_space<hbm>>
      %dma_wait3A_27 = arith.constant 0 : i32
      %dma_wait3A_28 = tpu.memref_slice %arg4[%mul3A_2, %dma_wait3A_27] : memref<1280x125xi32, #tpu.memory_space<hbm>> -> memref<40x125xi32, #tpu.memory_space<hbm>>
      tpu.wait_dma2 semaphore(%run_scoped3A : memref<!tpu.dma_semaphore, #tpu.memory_space<semaphore_mem>>) src(%dma_wait3A_28 : memref<40x125xi32, #tpu.memory_space<hbm>>) dst(%arg8 : memref<40x125xi32, #tpu.memory_space<vmem>>)
      tpu.yield
    }) : () -> ()
    %dma_start3A = arith.constant 0 : i32
    %dma_start3A_3 = arith.constant 0 : i32
    %dma_start3A_4 = tpu.memref_slice %arg7[%dma_start3A, %dma_start3A_3] : memref<80x125xi32, #tpu.memory_space<vmem>> -> memref<1x125xi32, #tpu.memory_space<vmem>>
    %dma_start3A_5 = tpu.memref_squeeze %dma_start3A_4 : memref<1x125xi32, #tpu.memory_space<vmem>> -> memref<125xi32, #tpu.memory_space<vmem>>
    %dma_start3A_6 = arith.constant 0 : i32
    %dma_start3A_7 = arith.constant 0 : i32
    %dma_start3A_8 = tpu.memref_slice %arg2[%dma_start3A_6, %dma_start3A_7] : memref<20000x128xf32, #tpu.memory_space<hbm>> -> memref<20000x128xf32, #tpu.memory_space<hbm>>
    tpu.enqueue_indirect_dma source(%dma_start3A_8 : memref<20000x128xf32, #tpu.memory_space<hbm>>) target(%arg9 : memref<125x128xf32, #tpu.memory_space<vmem>>) offsets(%dma_start3A_5 : memref<125xi32, #tpu.memory_space<vmem>>) semaphore(%arg12 : memref<!tpu.dma_semaphore, #tpu.memory_space<semaphore_mem>>)
    %mul3A_9 = arith.constant 625 : i32
    %mul3A_10 = arith.muli %arg1, %mul3A_9 : i32
    "tpu.region"() ({
      %run_scoped3A = tpu.sem_alloc : memref<!tpu.dma_semaphore, #tpu.memory_space<semaphore_mem>>
      %dma_start3A_22 = arith.constant 0 : i32
      %dma_start3A_23 = tpu.memref_slice %arg11[%mul3A_10, %dma_start3A_22] : memref<10000x128xf32, #tpu.memory_space<vmem_shared>> -> memref<625x128xf32, #tpu.memory_space<vmem_shared>>
      tpu.enqueue_dma source(%arg5 : memref<625x128xf32, #tpu.memory_space<hbm>>) target(%dma_start3A_23 : memref<625x128xf32, #tpu.memory_space<vmem_shared>>) target_semaphore(%run_scoped3A : memref<!tpu.dma_semaphore, #tpu.memory_space<semaphore_mem>>)
      %dma_wait3A = arith.constant 0 : i32
      %dma_wait3A_24 = tpu.memref_slice %arg11[%mul3A_10, %dma_wait3A] : memref<10000x128xf32, #tpu.memory_space<vmem_shared>> -> memref<625x128xf32, #tpu.memory_space<vmem_shared>>
      tpu.wait_dma2 semaphore(%run_scoped3A : memref<!tpu.dma_semaphore, #tpu.memory_space<semaphore_mem>>) src(%arg5 : memref<625x128xf32, #tpu.memory_space<hbm>>) dst(%dma_wait3A_24 : memref<625x128xf32, #tpu.memory_space<vmem_shared>>)
      tpu.yield
    }) : () -> ()
    %barrier3A = arith.constant 0 : index
    tpu.barrier barrier_id(%barrier3A)
    %scan3A = arith.constant 0 : i32
    %scan3A_11 = arith.constant 40 : i32
    %scan3A_12 = arith.addi %scan3A, %scan3A_11 : i32
    %scan3A_13 = arith.constant 1 : i32
    scf.for %scan3A_22 = %scan3A to %scan3A_12 step %scan3A_13  : i32 {
      %mul3A_23 = arith.constant 2 : i32
      %mul3A_24 = arith.muli %scan3A_22, %mul3A_23 : i32
      %add3A = arith.constant 0 : i32
      %add3A_25 = arith.addi %add3A, %mul3A_24 : i32
      %eq3A_26 = arith.constant 40 : i32
      %eq3A_27 = arith.cmpi eq, %add3A_25, %eq3A_26 : i32
      %convert_element_type3A_28 = arith.extui %eq3A_27 : i1 to i32
      %cond3A_29 = arith.constant 0 : i32
      %cond3A_30 = arith.cmpi ne, %convert_element_type3A_28, %cond3A_29 : i32
      scf.if %cond3A_30 {
        %mul3A_63 = arith.constant 80 : i32
        %mul3A_64 = arith.muli %arg1, %mul3A_63 : i32
        %add3A_65 = arith.constant 40 : i32
        %add3A_66 = arith.addi %mul3A_64, %add3A_65 : i32
        "tpu.region"() ({
          %run_scoped3A = tpu.sem_alloc : memref<!tpu.dma_semaphore, #tpu.memory_space<semaphore_mem>>
          %dma_start3A_67 = arith.constant 0 : i32
          %dma_start3A_68 = tpu.memref_slice %arg4[%add3A_66, %dma_start3A_67] : memref<1280x125xi32, #tpu.memory_space<hbm>> -> memref<40x125xi32, #tpu.memory_space<hbm>>
          %dma_start3A_69 = arith.constant 0 : i32
          %dma_start3A_70 = tpu.memref_slice %arg4[%add3A_66, %dma_start3A_69] : memref<1280x125xi32, #tpu.memory_space<hbm>> -> memref<40x125xi32, #tpu.memory_space<hbm>>
          tpu.enqueue_dma source(%dma_start3A_70 : memref<40x125xi32, #tpu.memory_space<hbm>>) target(%arg8 : memref<40x125xi32, #tpu.memory_space<vmem>>) target_semaphore(%run_scoped3A : memref<!tpu.dma_semaphore, #tpu.memory_space<semaphore_mem>>)
          %dma_wait3A_71 = arith.constant 0 : i32
          %dma_wait3A_72 = tpu.memref_slice %arg4[%add3A_66, %dma_wait3A_71] : memref<1280x125xi32, #tpu.memory_space<hbm>> -> memref<40x125xi32, #tpu.memory_space<hbm>>
          %dma_wait3A_73 = arith.constant 0 : i32
          %dma_wait3A_74 = tpu.memref_slice %arg4[%add3A_66, %dma_wait3A_73] : memref<1280x125xi32, #tpu.memory_space<hbm>> -> memref<40x125xi32, #tpu.memory_space<hbm>>
          tpu.wait_dma2 semaphore(%run_scoped3A : memref<!tpu.dma_semaphore, #tpu.memory_space<semaphore_mem>>) src(%dma_wait3A_74 : memref<40x125xi32, #tpu.memory_space<hbm>>) dst(%arg8 : memref<40x125xi32, #tpu.memory_space<vmem>>)
          tpu.yield
        }) : () -> ()
      } else {
      }
      %ge3A = arith.constant 40 : i32
      %ge3A_31 = arith.cmpi sge, %add3A_25, %ge3A : i32
      %sub3A = arith.constant 40 : i32
      %sub3A_32 = arith.subi %add3A_25, %sub3A : i32
      %select_n3A = arith.select %ge3A_31, %sub3A_32, %add3A_25 : i32
      %dma_wait3A = arith.constant 0 : i32
      %dma_wait3A_33 = tpu.memref_slice %arg7[%add3A_25, %dma_wait3A] : memref<80x125xi32, #tpu.memory_space<vmem>> -> memref<1x125xi32, #tpu.memory_space<vmem>>
      %dma_wait3A_34 = tpu.memref_squeeze %dma_wait3A_33 : memref<1x125xi32, #tpu.memory_space<vmem>> -> memref<125xi32, #tpu.memory_space<vmem>>
      %dma_wait3A_35 = arith.constant 0 : i32
      %dma_wait3A_36 = arith.constant 0 : i32
      %dma_wait3A_37 = tpu.memref_slice %arg2[%dma_wait3A_35, %dma_wait3A_36] : memref<20000x128xf32, #tpu.memory_space<hbm>> -> memref<20000x128xf32, #tpu.memory_space<hbm>>
      tpu.wait_indirect_dma semaphore(%arg12 : memref<!tpu.dma_semaphore, #tpu.memory_space<semaphore_mem>>) src(%dma_wait3A_37 : memref<20000x128xf32, #tpu.memory_space<hbm>>) dst(%arg9 : memref<125x128xf32, #tpu.memory_space<vmem>>)
      %add3A_38 = arith.constant 1 : i32
      %add3A_39 = arith.addi %add3A_25, %add3A_38 : i32
      %dma_start3A_40 = arith.constant 0 : i32
      %dma_start3A_41 = tpu.memref_slice %arg7[%add3A_39, %dma_start3A_40] : memref<80x125xi32, #tpu.memory_space<vmem>> -> memref<1x125xi32, #tpu.memory_space<vmem>>
      %dma_start3A_42 = tpu.memref_squeeze %dma_start3A_41 : memref<1x125xi32, #tpu.memory_space<vmem>> -> memref<125xi32, #tpu.memory_space<vmem>>
      %dma_start3A_43 = arith.constant 0 : i32
      %dma_start3A_44 = arith.constant 0 : i32
      %dma_start3A_45 = tpu.memref_slice %arg2[%dma_start3A_43, %dma_start3A_44] : memref<20000x128xf32, #tpu.memory_space<hbm>> -> memref<20000x128xf32, #tpu.memory_space<hbm>>
      tpu.enqueue_indirect_dma source(%dma_start3A_45 : memref<20000x128xf32, #tpu.memory_space<hbm>>) target(%arg10 : memref<125x128xf32, #tpu.memory_space<vmem>>) offsets(%dma_start3A_42 : memref<125xi32, #tpu.memory_space<vmem>>) semaphore(%arg13 : memref<!tpu.dma_semaphore, #tpu.memory_space<semaphore_mem>>)
      "tpu.region"() ({
        %run_scoped3A = tpu.sem_alloc : memref<!tpu.dma_semaphore, #tpu.memory_space<semaphore_mem>>
        %dma_start3A_63 = arith.constant 0 : i32
        %dma_start3A_64 = tpu.memref_slice %arg8[%select_n3A, %dma_start3A_63] : memref<40x125xi32, #tpu.memory_space<vmem>> -> memref<1x125xi32, #tpu.memory_space<vmem>>
        %dma_start3A_65 = tpu.memref_squeeze %dma_start3A_64 : memref<1x125xi32, #tpu.memory_space<vmem>> -> memref<125xi32, #tpu.memory_space<vmem>>
        %dma_start3A_66 = arith.constant 0 : i32
        %dma_start3A_67 = arith.constant 0 : i32
        %dma_start3A_68 = tpu.memref_slice %arg11[%dma_start3A_66, %dma_start3A_67] : memref<10000x128xf32, #tpu.memory_space<vmem_shared>> -> memref<10000x128xf32, #tpu.memory_space<vmem_shared>>
        tpu.enqueue_indirect_dma source(%arg9 : memref<125x128xf32, #tpu.memory_space<vmem>>) target(%dma_start3A_68 : memref<10000x128xf32, #tpu.memory_space<vmem_shared>>) offsets(%dma_start3A_65 : memref<125xi32, #tpu.memory_space<vmem>>) semaphore(%run_scoped3A : memref<!tpu.dma_semaphore, #tpu.memory_space<semaphore_mem>>) {add = true}
        %dma_wait3A_69 = arith.constant 0 : i32
        %dma_wait3A_70 = tpu.memref_slice %arg8[%select_n3A, %dma_wait3A_69] : memref<40x125xi32, #tpu.memory_space<vmem>> -> memref<1x125xi32, #tpu.memory_space<vmem>>
        %dma_wait3A_71 = tpu.memref_squeeze %dma_wait3A_70 : memref<1x125xi32, #tpu.memory_space<vmem>> -> memref<125xi32, #tpu.memory_space<vmem>>
        %dma_wait3A_72 = arith.constant 0 : i32
        %dma_wait3A_73 = arith.constant 0 : i32
        %dma_wait3A_74 = tpu.memref_slice %arg11[%dma_wait3A_72, %dma_wait3A_73] : memref<10000x128xf32, #tpu.memory_space<vmem_shared>> -> memref<10000x128xf32, #tpu.memory_space<vmem_shared>>
        tpu.wait_indirect_dma semaphore(%run_scoped3A : memref<!tpu.dma_semaphore, #tpu.memory_space<semaphore_mem>>) src(%arg9 : memref<125x128xf32, #tpu.memory_space<vmem>>) dst(%dma_wait3A_74 : memref<10000x128xf32, #tpu.memory_space<vmem_shared>>)
        tpu.yield
      }) : () -> ()
      %add3A_46 = arith.constant 1 : i32
      %add3A_47 = arith.addi %add3A_25, %add3A_46 : i32
      %dma_wait3A_48 = arith.constant 0 : i32
      %dma_wait3A_49 = tpu.memref_slice %arg7[%add3A_47, %dma_wait3A_48] : memref<80x125xi32, #tpu.memory_space<vmem>> -> memref<1x125xi32, #tpu.memory_space<vmem>>
      %dma_wait3A_50 = tpu.memref_squeeze %dma_wait3A_49 : memref<1x125xi32, #tpu.memory_space<vmem>> -> memref<125xi32, #tpu.memory_space<vmem>>
      %dma_wait3A_51 = arith.constant 0 : i32
      %dma_wait3A_52 = arith.constant 0 : i32
      %dma_wait3A_53 = tpu.memref_slice %arg2[%dma_wait3A_51, %dma_wait3A_52] : memref<20000x128xf32, #tpu.memory_space<hbm>> -> memref<20000x128xf32, #tpu.memory_space<hbm>>
      tpu.wait_indirect_dma semaphore(%arg13 : memref<!tpu.dma_semaphore, #tpu.memory_space<semaphore_mem>>) src(%dma_wait3A_53 : memref<20000x128xf32, #tpu.memory_space<hbm>>) dst(%arg10 : memref<125x128xf32, #tpu.memory_space<vmem>>)
      %add3A_54 = arith.constant 2 : i32
      %add3A_55 = arith.addi %add3A_25, %add3A_54 : i32
      %lt3A_56 = arith.constant 80 : i32
      %lt3A_57 = arith.cmpi slt, %add3A_55, %lt3A_56 : i32
      %convert_element_type3A_58 = arith.extui %lt3A_57 : i1 to i32
      %cond3A_59 = arith.constant 0 : i32
      %cond3A_60 = arith.cmpi ne, %convert_element_type3A_58, %cond3A_59 : i32
      scf.if %cond3A_60 {
        %add3A_63 = arith.constant 2 : i32
        %add3A_64 = arith.addi %add3A_25, %add3A_63 : i32
        %dma_start3A_65 = arith.constant 0 : i32
        %dma_start3A_66 = tpu.memref_slice %arg7[%add3A_64, %dma_start3A_65] : memref<80x125xi32, #tpu.memory_space<vmem>> -> memref<1x125xi32, #tpu.memory_space<vmem>>
        %dma_start3A_67 = tpu.memref_squeeze %dma_start3A_66 : memref<1x125xi32, #tpu.memory_space<vmem>> -> memref<125xi32, #tpu.memory_space<vmem>>
        %dma_start3A_68 = arith.constant 0 : i32
        %dma_start3A_69 = arith.constant 0 : i32
        %dma_start3A_70 = tpu.memref_slice %arg2[%dma_start3A_68, %dma_start3A_69] : memref<20000x128xf32, #tpu.memory_space<hbm>> -> memref<20000x128xf32, #tpu.memory_space<hbm>>
        tpu.enqueue_indirect_dma source(%dma_start3A_70 : memref<20000x128xf32, #tpu.memory_space<hbm>>) target(%arg9 : memref<125x128xf32, #tpu.memory_space<vmem>>) offsets(%dma_start3A_67 : memref<125xi32, #tpu.memory_space<vmem>>) semaphore(%arg12 : memref<!tpu.dma_semaphore, #tpu.memory_space<semaphore_mem>>)
      } else {
      }
      %add3A_61 = arith.constant 1 : i32
      %add3A_62 = arith.addi %select_n3A, %add3A_61 : i32
      "tpu.region"() ({
        %run_scoped3A = tpu.sem_alloc : memref<!tpu.dma_semaphore, #tpu.memory_space<semaphore_mem>>
        %dma_start3A_63 = arith.constant 0 : i32
        %dma_start3A_64 = tpu.memref_slice %arg8[%add3A_62, %dma_start3A_63] : memref<40x125xi32, #tpu.memory_space<vmem>> -> memref<1x125xi32, #tpu.memory_space<vmem>>
        %dma_start3A_65 = tpu.memref_squeeze %dma_start3A_64 : memref<1x125xi32, #tpu.memory_space<vmem>> -> memref<125xi32, #tpu.memory_space<vmem>>
        %dma_start3A_66 = arith.constant 0 : i32
        %dma_start3A_67 = arith.constant 0 : i32
        %dma_start3A_68 = tpu.memref_slice %arg11[%dma_start3A_66, %dma_start3A_67] : memref<10000x128xf32, #tpu.memory_space<vmem_shared>> -> memref<10000x128xf32, #tpu.memory_space<vmem_shared>>
        tpu.enqueue_indirect_dma source(%arg10 : memref<125x128xf32, #tpu.memory_space<vmem>>) target(%dma_start3A_68 : memref<10000x128xf32, #tpu.memory_space<vmem_shared>>) offsets(%dma_start3A_65 : memref<125xi32, #tpu.memory_space<vmem>>) semaphore(%run_scoped3A : memref<!tpu.dma_semaphore, #tpu.memory_space<semaphore_mem>>) {add = true}
        %dma_wait3A_69 = arith.constant 0 : i32
        %dma_wait3A_70 = tpu.memref_slice %arg8[%add3A_62, %dma_wait3A_69] : memref<40x125xi32, #tpu.memory_space<vmem>> -> memref<1x125xi32, #tpu.memory_space<vmem>>
        %dma_wait3A_71 = tpu.memref_squeeze %dma_wait3A_70 : memref<1x125xi32, #tpu.memory_space<vmem>> -> memref<125xi32, #tpu.memory_space<vmem>>
        %dma_wait3A_72 = arith.constant 0 : i32
        %dma_wait3A_73 = arith.constant 0 : i32
        %dma_wait3A_74 = tpu.memref_slice %arg11[%dma_wait3A_72, %dma_wait3A_73] : memref<10000x128xf32, #tpu.memory_space<vmem_shared>> -> memref<10000x128xf32, #tpu.memory_space<vmem_shared>>
        tpu.wait_indirect_dma semaphore(%run_scoped3A : memref<!tpu.dma_semaphore, #tpu.memory_space<semaphore_mem>>) src(%arg10 : memref<125x128xf32, #tpu.memory_space<vmem>>) dst(%dma_wait3A_74 : memref<10000x128xf32, #tpu.memory_space<vmem_shared>>)
        tpu.yield
      }) : () -> ()
    }
    %scan3A_14 = arith.constant 40 : i32
    %barrier3A_15 = arith.constant 0 : index
    tpu.barrier barrier_id(%barrier3A_15)
    %lt3A = arith.constant 15 : i32
    %lt3A_16 = arith.cmpi slt, %arg1, %lt3A : i32
    %convert_element_type3A = arith.extui %lt3A_16 : i1 to i32
    %cond3A = arith.constant 0 : i32
    %cond3A_17 = arith.cmpi ne, %convert_element_type3A, %cond3A : i32
    scf.if %cond3A_17 {
      %mul3A_22 = arith.constant 632 : i32
      %mul3A_23 = arith.muli %arg1, %mul3A_22 : i32
      %mul3A_24 = arith.constant 632 : i32
      %mul3A_25 = arith.muli %arg1, %mul3A_24 : i32
      "tpu.region"() ({
        %run_scoped3A = tpu.sem_alloc : memref<!tpu.dma_semaphore, #tpu.memory_space<semaphore_mem>>
        %dma_start3A_26 = arith.constant 0 : i32
        %dma_start3A_27 = tpu.memref_slice %arg6[%arg0, %mul3A_25, %dma_start3A_26] : memref<2x10000x128xf32, #tpu.memory_space<hbm>> -> memref<1x632x128xf32, #tpu.memory_space<hbm>>
        %dma_start3A_28 = tpu.memref_squeeze %dma_start3A_27 : memref<1x632x128xf32, #tpu.memory_space<hbm>> -> memref<632x128xf32, #tpu.memory_space<hbm>>
        %dma_start3A_29 = arith.constant 0 : i32
        %dma_start3A_30 = tpu.memref_slice %arg11[%mul3A_23, %dma_start3A_29] : memref<10000x128xf32, #tpu.memory_space<vmem_shared>> -> memref<632x128xf32, #tpu.memory_space<vmem_shared>>
        tpu.enqueue_dma source(%dma_start3A_30 : memref<632x128xf32, #tpu.memory_space<vmem_shared>>) target(%dma_start3A_28 : memref<632x128xf32, #tpu.memory_space<hbm>>) target_semaphore(%run_scoped3A : memref<!tpu.dma_semaphore, #tpu.memory_space<semaphore_mem>>)
        %dma_wait3A = arith.constant 0 : i32
        %dma_wait3A_31 = tpu.memref_slice %arg6[%arg0, %mul3A_25, %dma_wait3A] : memref<2x10000x128xf32, #tpu.memory_space<hbm>> -> memref<1x632x128xf32, #tpu.memory_space<hbm>>
        %dma_wait3A_32 = tpu.memref_squeeze %dma_wait3A_31 : memref<1x632x128xf32, #tpu.memory_space<hbm>> -> memref<632x128xf32, #tpu.memory_space<hbm>>
        %dma_wait3A_33 = arith.constant 0 : i32
        %dma_wait3A_34 = tpu.memref_slice %arg11[%mul3A_23, %dma_wait3A_33] : memref<10000x128xf32, #tpu.memory_space<vmem_shared>> -> memref<632x128xf32, #tpu.memory_space<vmem_shared>>
        tpu.wait_dma2 semaphore(%run_scoped3A : memref<!tpu.dma_semaphore, #tpu.memory_space<semaphore_mem>>) src(%dma_wait3A_34 : memref<632x128xf32, #tpu.memory_space<vmem_shared>>) dst(%dma_wait3A_32 : memref<632x128xf32, #tpu.memory_space<hbm>>)
        tpu.yield
      }) : () -> ()
    } else {
    }
    %eq3A = arith.constant 15 : i32
    %eq3A_18 = arith.cmpi eq, %arg1, %eq3A : i32
    %convert_element_type3A_19 = arith.extui %eq3A_18 : i1 to i32
    %cond3A_20 = arith.constant 0 : i32
    %cond3A_21 = arith.cmpi ne, %convert_element_type3A_19, %cond3A_20 : i32
    scf.if %cond3A_21 {
      "tpu.region"() ({
        %run_scoped3A = tpu.sem_alloc : memref<!tpu.dma_semaphore, #tpu.memory_space<semaphore_mem>>
        %dma_start3A_22 = arith.constant 9480 : i32
        %dma_start3A_23 = arith.constant 0 : i32
        %dma_start3A_24 = tpu.memref_slice %arg6[%arg0, %dma_start3A_22, %dma_start3A_23] : memref<2x10000x128xf32, #tpu.memory_space<hbm>> -> memref<1x520x128xf32, #tpu.memory_space<hbm>>
        %dma_start3A_25 = tpu.memref_squeeze %dma_start3A_24 : memref<1x520x128xf32, #tpu.memory_space<hbm>> -> memref<520x128xf32, #tpu.memory_space<hbm>>
        %dma_start3A_26 = arith.constant 9480 : i32
        %dma_start3A_27 = arith.constant 0 : i32
        %dma_start3A_28 = tpu.memref_slice %arg11[%dma_start3A_26, %dma_start3A_27] : memref<10000x128xf32, #tpu.memory_space<vmem_shared>> -> memref<520x128xf32, #tpu.memory_space<vmem_shared>>
        tpu.enqueue_dma source(%dma_start3A_28 : memref<520x128xf32, #tpu.memory_space<vmem_shared>>) target(%dma_start3A_25 : memref<520x128xf32, #tpu.memory_space<hbm>>) target_semaphore(%run_scoped3A : memref<!tpu.dma_semaphore, #tpu.memory_space<semaphore_mem>>)
        %dma_wait3A = arith.constant 9480 : i32
        %dma_wait3A_29 = arith.constant 0 : i32
        %dma_wait3A_30 = tpu.memref_slice %arg6[%arg0, %dma_wait3A, %dma_wait3A_29] : memref<2x10000x128xf32, #tpu.memory_space<hbm>> -> memref<1x520x128xf32, #tpu.memory_space<hbm>>
        %dma_wait3A_31 = tpu.memref_squeeze %dma_wait3A_30 : memref<1x520x128xf32, #tpu.memory_space<hbm>> -> memref<520x128xf32, #tpu.memory_space<hbm>>
        %dma_wait3A_32 = arith.constant 9480 : i32
        %dma_wait3A_33 = arith.constant 0 : i32
        %dma_wait3A_34 = tpu.memref_slice %arg11[%dma_wait3A_32, %dma_wait3A_33] : memref<10000x128xf32, #tpu.memory_space<vmem_shared>> -> memref<520x128xf32, #tpu.memory_space<vmem_shared>>
        tpu.wait_dma2 semaphore(%run_scoped3A : memref<!tpu.dma_semaphore, #tpu.memory_space<semaphore_mem>>) src(%dma_wait3A_34 : memref<520x128xf32, #tpu.memory_space<vmem_shared>>) dst(%dma_wait3A_31 : memref<520x128xf32, #tpu.memory_space<hbm>>)
        tpu.yield
      }) : () -> ()
    } else {
    }
    return
  }
}

#map = affine_map<(d0, d1) -> (0, 0)>
#map1 = affine_map<(d0, d1) -> (0, 0, 0)>
module attributes {stable_mosaic.version = 14 : i64} {
  func.func @seg_kernel(%arg0: i32, %arg1: i32, %arg2: memref<20000x128xf32, #tpu.memory_space<hbm>>, %arg3: memref<2x1280x125xi32, #tpu.memory_space<hbm>>, %arg4: memref<1280x125xi32, #tpu.memory_space<hbm>>, %arg5: memref<625x128xf32, #tpu.memory_space<hbm>>, %arg6: memref<2x10000x128xf32, #tpu.memory_space<hbm>>, %arg7: memref<80x125xi32, #tpu.memory_space<vmem>>, %arg8: memref<40x125xi32, #tpu.memory_space<vmem>>, %arg9: memref<125x128xf32, #tpu.memory_space<vmem>>, %arg10: memref<125x128xf32, #tpu.memory_space<vmem>>, %arg11: memref<10000x128xf32, #tpu.memory_space<vmem_shared>>, %arg12: memref<!tpu.dma_semaphore, #tpu.memory_space<semaphore_mem>>, %arg13: memref<!tpu.dma_semaphore, #tpu.memory_space<semaphore_mem>>) attributes {dimension_semantics = [#tpu.dimension_semantics<core_parallel>, #tpu.dimension_semantics<subcore_parallel>], iteration_bounds = array<i64: 2, 16>, scalar_prefetch = 0 : i64, scratch_operands = 7 : i64, tpu.core_type = #tpu.core_type<sc_vector_subcore>, window_params = [{transform_indices = #map}, {transform_indices = #map1}, {transform_indices = #map}, {transform_indices = #map}, {transform_indices = #map1}]} {
    %mul3A = arith.constant 80 : i32
    %mul3A_0 = arith.muli %arg1, %mul3A : i32
    "tpu.region"() ({
      %run_scoped3A = tpu.sem_alloc : memref<!tpu.dma_semaphore, #tpu.memory_space<semaphore_mem>>
      %dma_start3A_22 = arith.constant 0 : i32
      %dma_start3A_23 = tpu.memref_slice %arg3[%arg0, %mul3A_0, %dma_start3A_22] : memref<2x1280x125xi32, #tpu.memory_space<hbm>> -> memref<1x80x125xi32, #tpu.memory_space<hbm>>
      %dma_start3A_24 = tpu.memref_squeeze %dma_start3A_23 : memref<1x80x125xi32, #tpu.memory_space<hbm>> -> memref<80x125xi32, #tpu.memory_space<hbm>>
      %dma_start3A_25 = arith.constant 0 : i32
      %dma_start3A_26 = tpu.memref_slice %arg3[%arg0, %mul3A_0, %dma_start3A_25] : memref<2x1280x125xi32, #tpu.memory_space<hbm>> -> memref<1x80x125xi32, #tpu.memory_space<hbm>>
      %dma_start3A_27 = tpu.memref_squeeze %dma_start3A_26 : memref<1x80x125xi32, #tpu.memory_space<hbm>> -> memref<80x125xi32, #tpu.memory_space<hbm>>
      tpu.enqueue_dma source(%dma_start3A_27 : memref<80x125xi32, #tpu.memory_space<hbm>>) target(%arg7 : memref<80x125xi32, #tpu.memory_space<vmem>>) target_semaphore(%run_scoped3A : memref<!tpu.dma_semaphore, #tpu.memory_space<semaphore_mem>>)
      %dma_wait3A = arith.constant 0 : i32
      %dma_wait3A_28 = tpu.memref_slice %arg3[%arg0, %mul3A_0, %dma_wait3A] : memref<2x1280x125xi32, #tpu.memory_space<hbm>> -> memref<1x80x125xi32, #tpu.memory_space<hbm>>
      %dma_wait3A_29 = tpu.memref_squeeze %dma_wait3A_28 : memref<1x80x125xi32, #tpu.memory_space<hbm>> -> memref<80x125xi32, #tpu.memory_space<hbm>>
      %dma_wait3A_30 = arith.constant 0 : i32
      %dma_wait3A_31 = tpu.memref_slice %arg3[%arg0, %mul3A_0, %dma_wait3A_30] : memref<2x1280x125xi32, #tpu.memory_space<hbm>> -> memref<1x80x125xi32, #tpu.memory_space<hbm>>
      %dma_wait3A_32 = tpu.memref_squeeze %dma_wait3A_31 : memref<1x80x125xi32, #tpu.memory_space<hbm>> -> memref<80x125xi32, #tpu.memory_space<hbm>>
      tpu.wait_dma2 semaphore(%run_scoped3A : memref<!tpu.dma_semaphore, #tpu.memory_space<semaphore_mem>>) src(%dma_wait3A_32 : memref<80x125xi32, #tpu.memory_space<hbm>>) dst(%arg7 : memref<80x125xi32, #tpu.memory_space<vmem>>)
      tpu.yield
    }) : () -> ()
    %mul3A_1 = arith.constant 80 : i32
    %mul3A_2 = arith.muli %arg1, %mul3A_1 : i32
    "tpu.region"() ({
      %run_scoped3A = tpu.sem_alloc : memref<!tpu.dma_semaphore, #tpu.memory_space<semaphore_mem>>
      %dma_start3A_22 = arith.constant 0 : i32
      %dma_start3A_23 = tpu.memref_slice %arg4[%mul3A_2, %dma_start3A_22] : memref<1280x125xi32, #tpu.memory_space<hbm>> -> memref<40x125xi32, #tpu.memory_space<hbm>>
      %dma_start3A_24 = arith.constant 0 : i32
      %dma_start3A_25 = tpu.memref_slice %arg4[%mul3A_2, %dma_start3A_24] : memref<1280x125xi32, #tpu.memory_space<hbm>> -> memref<40x125xi32, #tpu.memory_space<hbm>>
      tpu.enqueue_dma source(%dma_start3A_25 : memref<40x125xi32, #tpu.memory_space<hbm>>) target(%arg8 : memref<40x125xi32, #tpu.memory_space<vmem>>) target_semaphore(%run_scoped3A : memref<!tpu.dma_semaphore, #tpu.memory_space<semaphore_mem>>)
      %dma_wait3A = arith.constant 0 : i32
      %dma_wait3A_26 = tpu.memref_slice %arg4[%mul3A_2, %dma_wait3A] : memref<1280x125xi32, #tpu.memory_space<hbm>> -> memref<40x125xi32, #tpu.memory_space<hbm>>
      %dma_wait3A_27 = arith.constant 0 : i32
      %dma_wait3A_28 = tpu.memref_slice %arg4[%mul3A_2, %dma_wait3A_27] : memref<1280x125xi32, #tpu.memory_space<hbm>> -> memref<40x125xi32, #tpu.memory_space<hbm>>
      tpu.wait_dma2 semaphore(%run_scoped3A : memref<!tpu.dma_semaphore, #tpu.memory_space<semaphore_mem>>) src(%dma_wait3A_28 : memref<40x125xi32, #tpu.memory_space<hbm>>) dst(%arg8 : memref<40x125xi32, #tpu.memory_space<vmem>>)
      tpu.yield
    }) : () -> ()
    %dma_start3A = arith.constant 0 : i32
    %dma_start3A_3 = arith.constant 0 : i32
    %dma_start3A_4 = tpu.memref_slice %arg7[%dma_start3A, %dma_start3A_3] : memref<80x125xi32, #tpu.memory_space<vmem>> -> memref<1x125xi32, #tpu.memory_space<vmem>>
    %dma_start3A_5 = tpu.memref_squeeze %dma_start3A_4 : memref<1x125xi32, #tpu.memory_space<vmem>> -> memref<125xi32, #tpu.memory_space<vmem>>
    %dma_start3A_6 = arith.constant 0 : i32
    %dma_start3A_7 = arith.constant 0 : i32
    %dma_start3A_8 = tpu.memref_slice %arg2[%dma_start3A_6, %dma_start3A_7] : memref<20000x128xf32, #tpu.memory_space<hbm>> -> memref<20000x128xf32, #tpu.memory_space<hbm>>
    tpu.enqueue_indirect_dma source(%dma_start3A_8 : memref<20000x128xf32, #tpu.memory_space<hbm>>) target(%arg9 : memref<125x128xf32, #tpu.memory_space<vmem>>) offsets(%dma_start3A_5 : memref<125xi32, #tpu.memory_space<vmem>>) semaphore(%arg12 : memref<!tpu.dma_semaphore, #tpu.memory_space<semaphore_mem>>)
    %mul3A_9 = arith.constant 625 : i32
    %mul3A_10 = arith.muli %arg1, %mul3A_9 : i32
    "tpu.region"() ({
      %run_scoped3A = tpu.sem_alloc : memref<!tpu.dma_semaphore, #tpu.memory_space<semaphore_mem>>
      %dma_start3A_22 = arith.constant 0 : i32
      %dma_start3A_23 = tpu.memref_slice %arg11[%mul3A_10, %dma_start3A_22] : memref<10000x128xf32, #tpu.memory_space<vmem_shared>> -> memref<625x128xf32, #tpu.memory_space<vmem_shared>>
      tpu.enqueue_dma source(%arg5 : memref<625x128xf32, #tpu.memory_space<hbm>>) target(%dma_start3A_23 : memref<625x128xf32, #tpu.memory_space<vmem_shared>>) target_semaphore(%run_scoped3A : memref<!tpu.dma_semaphore, #tpu.memory_space<semaphore_mem>>)
      %dma_wait3A = arith.constant 0 : i32
      %dma_wait3A_24 = tpu.memref_slice %arg11[%mul3A_10, %dma_wait3A] : memref<10000x128xf32, #tpu.memory_space<vmem_shared>> -> memref<625x128xf32, #tpu.memory_space<vmem_shared>>
      tpu.wait_dma2 semaphore(%run_scoped3A : memref<!tpu.dma_semaphore, #tpu.memory_space<semaphore_mem>>) src(%arg5 : memref<625x128xf32, #tpu.memory_space<hbm>>) dst(%dma_wait3A_24 : memref<625x128xf32, #tpu.memory_space<vmem_shared>>)
      tpu.yield
    }) : () -> ()
    %barrier3A = arith.constant 0 : index
    tpu.barrier barrier_id(%barrier3A)
    %scan3A = arith.constant 0 : i32
    %scan3A_11 = arith.constant 40 : i32
    %scan3A_12 = arith.addi %scan3A, %scan3A_11 : i32
    %scan3A_13 = arith.constant 1 : i32
    scf.for %scan3A_22 = %scan3A to %scan3A_12 step %scan3A_13  : i32 {
      %mul3A_23 = arith.constant 2 : i32
      %mul3A_24 = arith.muli %scan3A_22, %mul3A_23 : i32
      %add3A = arith.constant 0 : i32
      %add3A_25 = arith.addi %add3A, %mul3A_24 : i32
      %eq3A_26 = arith.constant 40 : i32
      %eq3A_27 = arith.cmpi eq, %add3A_25, %eq3A_26 : i32
      %convert_element_type3A_28 = arith.extui %eq3A_27 : i1 to i32
      %cond3A_29 = arith.constant 0 : i32
      %cond3A_30 = arith.cmpi ne, %convert_element_type3A_28, %cond3A_29 : i32
      scf.if %cond3A_30 {
        %mul3A_63 = arith.constant 80 : i32
        %mul3A_64 = arith.muli %arg1, %mul3A_63 : i32
        %add3A_65 = arith.constant 40 : i32
        %add3A_66 = arith.addi %mul3A_64, %add3A_65 : i32
        "tpu.region"() ({
          %run_scoped3A = tpu.sem_alloc : memref<!tpu.dma_semaphore, #tpu.memory_space<semaphore_mem>>
          %dma_start3A_67 = arith.constant 0 : i32
          %dma_start3A_68 = tpu.memref_slice %arg4[%add3A_66, %dma_start3A_67] : memref<1280x125xi32, #tpu.memory_space<hbm>> -> memref<40x125xi32, #tpu.memory_space<hbm>>
          %dma_start3A_69 = arith.constant 0 : i32
          %dma_start3A_70 = tpu.memref_slice %arg4[%add3A_66, %dma_start3A_69] : memref<1280x125xi32, #tpu.memory_space<hbm>> -> memref<40x125xi32, #tpu.memory_space<hbm>>
          tpu.enqueue_dma source(%dma_start3A_70 : memref<40x125xi32, #tpu.memory_space<hbm>>) target(%arg8 : memref<40x125xi32, #tpu.memory_space<vmem>>) target_semaphore(%run_scoped3A : memref<!tpu.dma_semaphore, #tpu.memory_space<semaphore_mem>>)
          %dma_wait3A_71 = arith.constant 0 : i32
          %dma_wait3A_72 = tpu.memref_slice %arg4[%add3A_66, %dma_wait3A_71] : memref<1280x125xi32, #tpu.memory_space<hbm>> -> memref<40x125xi32, #tpu.memory_space<hbm>>
          %dma_wait3A_73 = arith.constant 0 : i32
          %dma_wait3A_74 = tpu.memref_slice %arg4[%add3A_66, %dma_wait3A_73] : memref<1280x125xi32, #tpu.memory_space<hbm>> -> memref<40x125xi32, #tpu.memory_space<hbm>>
          tpu.wait_dma2 semaphore(%run_scoped3A : memref<!tpu.dma_semaphore, #tpu.memory_space<semaphore_mem>>) src(%dma_wait3A_74 : memref<40x125xi32, #tpu.memory_space<hbm>>) dst(%arg8 : memref<40x125xi32, #tpu.memory_space<vmem>>)
          tpu.yield
        }) : () -> ()
      } else {
      }
      %ge3A = arith.constant 40 : i32
      %ge3A_31 = arith.cmpi sge, %add3A_25, %ge3A : i32
      %sub3A = arith.constant 40 : i32
      %sub3A_32 = arith.subi %add3A_25, %sub3A : i32
      %select_n3A = arith.select %ge3A_31, %sub3A_32, %add3A_25 : i32
      %dma_wait3A = arith.constant 0 : i32
      %dma_wait3A_33 = tpu.memref_slice %arg7[%add3A_25, %dma_wait3A] : memref<80x125xi32, #tpu.memory_space<vmem>> -> memref<1x125xi32, #tpu.memory_space<vmem>>
      %dma_wait3A_34 = tpu.memref_squeeze %dma_wait3A_33 : memref<1x125xi32, #tpu.memory_space<vmem>> -> memref<125xi32, #tpu.memory_space<vmem>>
      %dma_wait3A_35 = arith.constant 0 : i32
      %dma_wait3A_36 = arith.constant 0 : i32
      %dma_wait3A_37 = tpu.memref_slice %arg2[%dma_wait3A_35, %dma_wait3A_36] : memref<20000x128xf32, #tpu.memory_space<hbm>> -> memref<20000x128xf32, #tpu.memory_space<hbm>>
      tpu.wait_indirect_dma semaphore(%arg12 : memref<!tpu.dma_semaphore, #tpu.memory_space<semaphore_mem>>) src(%dma_wait3A_37 : memref<20000x128xf32, #tpu.memory_space<hbm>>) dst(%arg9 : memref<125x128xf32, #tpu.memory_space<vmem>>)
      %add3A_38 = arith.constant 1 : i32
      %add3A_39 = arith.addi %add3A_25, %add3A_38 : i32
      %dma_start3A_40 = arith.constant 0 : i32
      %dma_start3A_41 = tpu.memref_slice %arg7[%add3A_39, %dma_start3A_40] : memref<80x125xi32, #tpu.memory_space<vmem>> -> memref<1x125xi32, #tpu.memory_space<vmem>>
      %dma_start3A_42 = tpu.memref_squeeze %dma_start3A_41 : memref<1x125xi32, #tpu.memory_space<vmem>> -> memref<125xi32, #tpu.memory_space<vmem>>
      %dma_start3A_43 = arith.constant 0 : i32
      %dma_start3A_44 = arith.constant 0 : i32
      %dma_start3A_45 = tpu.memref_slice %arg2[%dma_start3A_43, %dma_start3A_44] : memref<20000x128xf32, #tpu.memory_space<hbm>> -> memref<20000x128xf32, #tpu.memory_space<hbm>>
      tpu.enqueue_indirect_dma source(%dma_start3A_45 : memref<20000x128xf32, #tpu.memory_space<hbm>>) target(%arg10 : memref<125x128xf32, #tpu.memory_space<vmem>>) offsets(%dma_start3A_42 : memref<125xi32, #tpu.memory_space<vmem>>) semaphore(%arg13 : memref<!tpu.dma_semaphore, #tpu.memory_space<semaphore_mem>>)
      "tpu.region"() ({
        %run_scoped3A = tpu.sem_alloc : memref<!tpu.dma_semaphore, #tpu.memory_space<semaphore_mem>>
        %dma_start3A_63 = arith.constant 0 : i32
        %dma_start3A_64 = tpu.memref_slice %arg8[%select_n3A, %dma_start3A_63] : memref<40x125xi32, #tpu.memory_space<vmem>> -> memref<1x125xi32, #tpu.memory_space<vmem>>
        %dma_start3A_65 = tpu.memref_squeeze %dma_start3A_64 : memref<1x125xi32, #tpu.memory_space<vmem>> -> memref<125xi32, #tpu.memory_space<vmem>>
        %dma_start3A_66 = arith.constant 0 : i32
        %dma_start3A_67 = arith.constant 0 : i32
        %dma_start3A_68 = tpu.memref_slice %arg11[%dma_start3A_66, %dma_start3A_67] : memref<10000x128xf32, #tpu.memory_space<vmem_shared>> -> memref<10000x128xf32, #tpu.memory_space<vmem_shared>>
        tpu.enqueue_indirect_dma source(%arg9 : memref<125x128xf32, #tpu.memory_space<vmem>>) target(%dma_start3A_68 : memref<10000x128xf32, #tpu.memory_space<vmem_shared>>) offsets(%dma_start3A_65 : memref<125xi32, #tpu.memory_space<vmem>>) semaphore(%run_scoped3A : memref<!tpu.dma_semaphore, #tpu.memory_space<semaphore_mem>>) {add = true}
        %dma_wait3A_69 = arith.constant 0 : i32
        %dma_wait3A_70 = tpu.memref_slice %arg8[%select_n3A, %dma_wait3A_69] : memref<40x125xi32, #tpu.memory_space<vmem>> -> memref<1x125xi32, #tpu.memory_space<vmem>>
        %dma_wait3A_71 = tpu.memref_squeeze %dma_wait3A_70 : memref<1x125xi32, #tpu.memory_space<vmem>> -> memref<125xi32, #tpu.memory_space<vmem>>
        %dma_wait3A_72 = arith.constant 0 : i32
        %dma_wait3A_73 = arith.constant 0 : i32
        %dma_wait3A_74 = tpu.memref_slice %arg11[%dma_wait3A_72, %dma_wait3A_73] : memref<10000x128xf32, #tpu.memory_space<vmem_shared>> -> memref<10000x128xf32, #tpu.memory_space<vmem_shared>>
        tpu.wait_indirect_dma semaphore(%run_scoped3A : memref<!tpu.dma_semaphore, #tpu.memory_space<semaphore_mem>>) src(%arg9 : memref<125x128xf32, #tpu.memory_space<vmem>>) dst(%dma_wait3A_74 : memref<10000x128xf32, #tpu.memory_space<vmem_shared>>)
        tpu.yield
      }) : () -> ()
      %add3A_46 = arith.constant 1 : i32
      %add3A_47 = arith.addi %add3A_25, %add3A_46 : i32
      %dma_wait3A_48 = arith.constant 0 : i32
      %dma_wait3A_49 = tpu.memref_slice %arg7[%add3A_47, %dma_wait3A_48] : memref<80x125xi32, #tpu.memory_space<vmem>> -> memref<1x125xi32, #tpu.memory_space<vmem>>
      %dma_wait3A_50 = tpu.memref_squeeze %dma_wait3A_49 : memref<1x125xi32, #tpu.memory_space<vmem>> -> memref<125xi32, #tpu.memory_space<vmem>>
      %dma_wait3A_51 = arith.constant 0 : i32
      %dma_wait3A_52 = arith.constant 0 : i32
      %dma_wait3A_53 = tpu.memref_slice %arg2[%dma_wait3A_51, %dma_wait3A_52] : memref<20000x128xf32, #tpu.memory_space<hbm>> -> memref<20000x128xf32, #tpu.memory_space<hbm>>
      tpu.wait_indirect_dma semaphore(%arg13 : memref<!tpu.dma_semaphore, #tpu.memory_space<semaphore_mem>>) src(%dma_wait3A_53 : memref<20000x128xf32, #tpu.memory_space<hbm>>) dst(%arg10 : memref<125x128xf32, #tpu.memory_space<vmem>>)
      %add3A_54 = arith.constant 2 : i32
      %add3A_55 = arith.addi %add3A_25, %add3A_54 : i32
      %lt3A_56 = arith.constant 80 : i32
      %lt3A_57 = arith.cmpi slt, %add3A_55, %lt3A_56 : i32
      %convert_element_type3A_58 = arith.extui %lt3A_57 : i1 to i32
      %cond3A_59 = arith.constant 0 : i32
      %cond3A_60 = arith.cmpi ne, %convert_element_type3A_58, %cond3A_59 : i32
      scf.if %cond3A_60 {
        %add3A_63 = arith.constant 2 : i32
        %add3A_64 = arith.addi %add3A_25, %add3A_63 : i32
        %dma_start3A_65 = arith.constant 0 : i32
        %dma_start3A_66 = tpu.memref_slice %arg7[%add3A_64, %dma_start3A_65] : memref<80x125xi32, #tpu.memory_space<vmem>> -> memref<1x125xi32, #tpu.memory_space<vmem>>
        %dma_start3A_67 = tpu.memref_squeeze %dma_start3A_66 : memref<1x125xi32, #tpu.memory_space<vmem>> -> memref<125xi32, #tpu.memory_space<vmem>>
        %dma_start3A_68 = arith.constant 0 : i32
        %dma_start3A_69 = arith.constant 0 : i32
        %dma_start3A_70 = tpu.memref_slice %arg2[%dma_start3A_68, %dma_start3A_69] : memref<20000x128xf32, #tpu.memory_space<hbm>> -> memref<20000x128xf32, #tpu.memory_space<hbm>>
        tpu.enqueue_indirect_dma source(%dma_start3A_70 : memref<20000x128xf32, #tpu.memory_space<hbm>>) target(%arg9 : memref<125x128xf32, #tpu.memory_space<vmem>>) offsets(%dma_start3A_67 : memref<125xi32, #tpu.memory_space<vmem>>) semaphore(%arg12 : memref<!tpu.dma_semaphore, #tpu.memory_space<semaphore_mem>>)
      } else {
      }
      %add3A_61 = arith.constant 1 : i32
      %add3A_62 = arith.addi %select_n3A, %add3A_61 : i32
      "tpu.region"() ({
        %run_scoped3A = tpu.sem_alloc : memref<!tpu.dma_semaphore, #tpu.memory_space<semaphore_mem>>
        %dma_start3A_63 = arith.constant 0 : i32
        %dma_start3A_64 = tpu.memref_slice %arg8[%add3A_62, %dma_start3A_63] : memref<40x125xi32, #tpu.memory_space<vmem>> -> memref<1x125xi32, #tpu.memory_space<vmem>>
        %dma_start3A_65 = tpu.memref_squeeze %dma_start3A_64 : memref<1x125xi32, #tpu.memory_space<vmem>> -> memref<125xi32, #tpu.memory_space<vmem>>
        %dma_start3A_66 = arith.constant 0 : i32
        %dma_start3A_67 = arith.constant 0 : i32
        %dma_start3A_68 = tpu.memref_slice %arg11[%dma_start3A_66, %dma_start3A_67] : memref<10000x128xf32, #tpu.memory_space<vmem_shared>> -> memref<10000x128xf32, #tpu.memory_space<vmem_shared>>
        tpu.enqueue_indirect_dma source(%arg10 : memref<125x128xf32, #tpu.memory_space<vmem>>) target(%dma_start3A_68 : memref<10000x128xf32, #tpu.memory_space<vmem_shared>>) offsets(%dma_start3A_65 : memref<125xi32, #tpu.memory_space<vmem>>) semaphore(%run_scoped3A : memref<!tpu.dma_semaphore, #tpu.memory_space<semaphore_mem>>) {add = true}
        %dma_wait3A_69 = arith.constant 0 : i32
        %dma_wait3A_70 = tpu.memref_slice %arg8[%add3A_62, %dma_wait3A_69] : memref<40x125xi32, #tpu.memory_space<vmem>> -> memref<1x125xi32, #tpu.memory_space<vmem>>
        %dma_wait3A_71 = tpu.memref_squeeze %dma_wait3A_70 : memref<1x125xi32, #tpu.memory_space<vmem>> -> memref<125xi32, #tpu.memory_space<vmem>>
        %dma_wait3A_72 = arith.constant 0 : i32
        %dma_wait3A_73 = arith.constant 0 : i32
        %dma_wait3A_74 = tpu.memref_slice %arg11[%dma_wait3A_72, %dma_wait3A_73] : memref<10000x128xf32, #tpu.memory_space<vmem_shared>> -> memref<10000x128xf32, #tpu.memory_space<vmem_shared>>
        tpu.wait_indirect_dma semaphore(%run_scoped3A : memref<!tpu.dma_semaphore, #tpu.memory_space<semaphore_mem>>) src(%arg10 : memref<125x128xf32, #tpu.memory_space<vmem>>) dst(%dma_wait3A_74 : memref<10000x128xf32, #tpu.memory_space<vmem_shared>>)
        tpu.yield
      }) : () -> ()
    }
    %scan3A_14 = arith.constant 40 : i32
    %barrier3A_15 = arith.constant 0 : index
    tpu.barrier barrier_id(%barrier3A_15)
    %lt3A = arith.constant 15 : i32
    %lt3A_16 = arith.cmpi slt, %arg1, %lt3A : i32
    %convert_element_type3A = arith.extui %lt3A_16 : i1 to i32
    %cond3A = arith.constant 0 : i32
    %cond3A_17 = arith.cmpi ne, %convert_element_type3A, %cond3A : i32
    scf.if %cond3A_17 {
      %mul3A_22 = arith.constant 632 : i32
      %mul3A_23 = arith.muli %arg1, %mul3A_22 : i32
      %mul3A_24 = arith.constant 632 : i32
      %mul3A_25 = arith.muli %arg1, %mul3A_24 : i32
      "tpu.region"() ({
        %run_scoped3A = tpu.sem_alloc : memref<!tpu.dma_semaphore, #tpu.memory_space<semaphore_mem>>
        %dma_start3A_26 = arith.constant 0 : i32
        %dma_start3A_27 = tpu.memref_slice %arg6[%arg0, %mul3A_25, %dma_start3A_26] : memref<2x10000x128xf32, #tpu.memory_space<hbm>> -> memref<1x632x128xf32, #tpu.memory_space<hbm>>
        %dma_start3A_28 = tpu.memref_squeeze %dma_start3A_27 : memref<1x632x128xf32, #tpu.memory_space<hbm>> -> memref<632x128xf32, #tpu.memory_space<hbm>>
        %dma_start3A_29 = arith.constant 0 : i32
        %dma_start3A_30 = tpu.memref_slice %arg11[%mul3A_23, %dma_start3A_29] : memref<10000x128xf32, #tpu.memory_space<vmem_shared>> -> memref<632x128xf32, #tpu.memory_space<vmem_shared>>
        tpu.enqueue_dma source(%dma_start3A_30 : memref<632x128xf32, #tpu.memory_space<vmem_shared>>) target(%dma_start3A_28 : memref<632x128xf32, #tpu.memory_space<hbm>>) target_semaphore(%run_scoped3A : memref<!tpu.dma_semaphore, #tpu.memory_space<semaphore_mem>>)
        %dma_wait3A = arith.constant 0 : i32
        %dma_wait3A_31 = tpu.memref_slice %arg6[%arg0, %mul3A_25, %dma_wait3A] : memref<2x10000x128xf32, #tpu.memory_space<hbm>> -> memref<1x632x128xf32, #tpu.memory_space<hbm>>
        %dma_wait3A_32 = tpu.memref_squeeze %dma_wait3A_31 : memref<1x632x128xf32, #tpu.memory_space<hbm>> -> memref<632x128xf32, #tpu.memory_space<hbm>>
        %dma_wait3A_33 = arith.constant 0 : i32
        %dma_wait3A_34 = tpu.memref_slice %arg11[%mul3A_23, %dma_wait3A_33] : memref<10000x128xf32, #tpu.memory_space<vmem_shared>> -> memref<632x128xf32, #tpu.memory_space<vmem_shared>>
        tpu.wait_dma2 semaphore(%run_scoped3A : memref<!tpu.dma_semaphore, #tpu.memory_space<semaphore_mem>>) src(%dma_wait3A_34 : memref<632x128xf32, #tpu.memory_space<vmem_shared>>) dst(%dma_wait3A_32 : memref<632x128xf32, #tpu.memory_space<hbm>>)
        tpu.yield
      }) : () -> ()
    } else {
    }
    %eq3A = arith.constant 15 : i32
    %eq3A_18 = arith.cmpi eq, %arg1, %eq3A : i32
    %convert_element_type3A_19 = arith.extui %eq3A_18 : i1 to i32
    %cond3A_20 = arith.constant 0 : i32
    %cond3A_21 = arith.cmpi ne, %convert_element_type3A_19, %cond3A_20 : i32
    scf.if %cond3A_21 {
      "tpu.region"() ({
        %run_scoped3A = tpu.sem_alloc : memref<!tpu.dma_semaphore, #tpu.memory_space<semaphore_mem>>
        %dma_start3A_22 = arith.constant 9480 : i32
        %dma_start3A_23 = arith.constant 0 : i32
        %dma_start3A_24 = tpu.memref_slice %arg6[%arg0, %dma_start3A_22, %dma_start3A_23] : memref<2x10000x128xf32, #tpu.memory_space<hbm>> -> memref<1x520x128xf32, #tpu.memory_space<hbm>>
        %dma_start3A_25 = tpu.memref_squeeze %dma_start3A_24 : memref<1x520x128xf32, #tpu.memory_space<hbm>> -> memref<520x128xf32, #tpu.memory_space<hbm>>
        %dma_start3A_26 = arith.constant 9480 : i32
        %dma_start3A_27 = arith.constant 0 : i32
        %dma_start3A_28 = tpu.memref_slice %arg11[%dma_start3A_26, %dma_start3A_27] : memref<10000x128xf32, #tpu.memory_space<vmem_shared>> -> memref<520x128xf32, #tpu.memory_space<vmem_shared>>
        tpu.enqueue_dma source(%dma_start3A_28 : memref<520x128xf32, #tpu.memory_space<vmem_shared>>) target(%dma_start3A_25 : memref<520x128xf32, #tpu.memory_space<hbm>>) target_semaphore(%run_scoped3A : memref<!tpu.dma_semaphore, #tpu.memory_space<semaphore_mem>>)
        %dma_wait3A = arith.constant 9480 : i32
        %dma_wait3A_29 = arith.constant 0 : i32
        %dma_wait3A_30 = tpu.memref_slice %arg6[%arg0, %dma_wait3A, %dma_wait3A_29] : memref<2x10000x128xf32, #tpu.memory_space<hbm>> -> memref<1x520x128xf32, #tpu.memory_space<hbm>>
        %dma_wait3A_31 = tpu.memref_squeeze %dma_wait3A_30 : memref<1x520x128xf32, #tpu.memory_space<hbm>> -> memref<520x128xf32, #tpu.memory_space<hbm>>
        %dma_wait3A_32 = arith.constant 9480 : i32
        %dma_wait3A_33 = arith.constant 0 : i32
        %dma_wait3A_34 = tpu.memref_slice %arg11[%dma_wait3A_32, %dma_wait3A_33] : memref<10000x128xf32, #tpu.memory_space<vmem_shared>> -> memref<520x128xf32, #tpu.memory_space<vmem_shared>>
        tpu.wait_dma2 semaphore(%run_scoped3A : memref<!tpu.dma_semaphore, #tpu.memory_space<semaphore_mem>>) src(%dma_wait3A_34 : memref<520x128xf32, #tpu.memory_space<vmem_shared>>) dst(%dma_wait3A_31 : memref<520x128xf32, #tpu.memory_space<hbm>>)
        tpu.yield
      }) : () -> ()
    } else {
    }
    return
  }
}

module attributes {stable_mosaic.version = 14 : i64} {
  func.func @body(%arg0: i32, %arg1: memref<1000x256xf32, #tpu.memory_space<vmem>>, %arg2: memref<256x256xf32, #tpu.memory_space<vmem>>, %arg3: memref<256x256xf32, #tpu.memory_space<vmem>>, %arg4: memref<2x1000x128xf32, #tpu.memory_space<vmem>>, %arg5: memref<1000x256xf32, #tpu.memory_space<vmem>>) attributes {dimension_semantics = [#tpu.dimension_semantics<arbitrary>], iteration_bounds = array<i64: 10>, scalar_prefetch = 0 : i64, scratch_operands = 0 : i64, tpu.core_type = #tpu.core_type<tc>, window_params = [{transform_indices = @transform_0, window_bounds = array<i64: 1000, 256>}, {pipeline_mode = #tpu.pipeline_mode<synchronous>, transform_indices = @transform_1, window_bounds = array<i64: 256, 256>}, {pipeline_mode = #tpu.pipeline_mode<synchronous>, transform_indices = @transform_2, window_bounds = array<i64: 256, 256>}, {transform_indices = @transform_3, window_bounds = array<i64: 2, 1000, 128>}, {transform_indices = @transform_4, window_bounds = array<i64: 1000, 256>}]} {
    %get3A = arith.constant 0 : index
    %get3A_0 = arith.constant 0 : index
    %get3A_1 = vector.load %arg1[%get3A, %get3A_0] : memref<1000x256xf32, #tpu.memory_space<vmem>>, vector<1000x256xf32>
    %get3A_2 = arith.constant 0 : index
    %get3A_3 = arith.constant 0 : index
    %get3A_4 = vector.load %arg2[%get3A_2, %get3A_3] : memref<256x256xf32, #tpu.memory_space<vmem>>, vector<256x256xf32>
    %dot_general3A = arith.constant dense<0.000000e+00> : vector<1000x256xf32>
    %dot_general3A_5 = tpu.matmul %get3A_1, %get3A_4, %dot_general3A {dimension_numbers = #tpu.dot_dimension_numbers<[1], [0], [0], [1], [0, 0, 1, 1], [], []>, transpose_lhs_hint = false} : vector<1000x256xf32>, vector<256x256xf32>, vector<1000x256xf32> -> vector<1000x256xf32>
    %slice3A = vector.extract_strided_slice %dot_general3A_5 {offsets = [0, 0], sizes = [1000, 128], strides = [1, 1]} : vector<1000x256xf32> to vector<1000x128xf32>
    %swap3A = arith.constant 0 : index
    %swap3A_6 = arith.constant 0 : index
    %swap3A_7 = arith.constant 0 : index
    %swap3A_8 = vector.load %arg4[%swap3A, %swap3A_6, %swap3A_7] : memref<2x1000x128xf32, #tpu.memory_space<vmem>>, vector<1x1000x128xf32>
    %swap3A_9 = vector.shape_cast %swap3A_8 : vector<1x1000x128xf32> to vector<1000x128xf32>
    %swap3A_10 = vector.shape_cast %slice3A : vector<1000x128xf32> to vector<1x1000x128xf32>
    tpu.vector_store %arg4[%swap3A, %swap3A_6, %swap3A_7], %swap3A_10 {strides = array<i32>} : memref<2x1000x128xf32, #tpu.memory_space<vmem>>, vector<1x1000x128xf32>,
    %slice3A_11 = vector.extract_strided_slice %dot_general3A_5 {offsets = [0, 128], sizes = [1000, 128], strides = [1, 1]} : vector<1000x256xf32> to vector<1000x128xf32>
    %swap3A_12 = arith.constant 1 : index
    %swap3A_13 = arith.constant 0 : index
    %swap3A_14 = arith.constant 0 : index
    %swap3A_15 = vector.load %arg4[%swap3A_12, %swap3A_13, %swap3A_14] : memref<2x1000x128xf32, #tpu.memory_space<vmem>>, vector<1x1000x128xf32>
    %swap3A_16 = vector.shape_cast %swap3A_15 : vector<1x1000x128xf32> to vector<1000x128xf32>
    %swap3A_17 = vector.shape_cast %slice3A_11 : vector<1000x128xf32> to vector<1x1000x128xf32>
    tpu.vector_store %arg4[%swap3A_12, %swap3A_13, %swap3A_14], %swap3A_17 {strides = array<i32>} : memref<2x1000x128xf32, #tpu.memory_space<vmem>>, vector<1x1000x128xf32>,
    %get3A_18 = arith.constant 0 : index
    %get3A_19 = arith.constant 0 : index
    %get3A_20 = vector.load %arg1[%get3A_18, %get3A_19] : memref<1000x256xf32, #tpu.memory_space<vmem>>, vector<1000x256xf32>
    %get3A_21 = arith.constant 0 : index
    %get3A_22 = arith.constant 0 : index
    %get3A_23 = vector.load %arg3[%get3A_21, %get3A_22] : memref<256x256xf32, #tpu.memory_space<vmem>>, vector<256x256xf32>
    %dot_general3A_24 = arith.constant dense<0.000000e+00> : vector<1000x256xf32>
    %dot_general3A_25 = tpu.matmul %get3A_20, %get3A_23, %dot_general3A_24 {dimension_numbers = #tpu.dot_dimension_numbers<[1], [0], [0], [1], [0, 0, 1, 1], [], []>, transpose_lhs_hint = false} : vector<1000x256xf32>, vector<256x256xf32>, vector<1000x256xf32> -> vector<1000x256xf32>
    %swap3A_26 = arith.constant 0 : index
    %swap3A_27 = arith.constant 0 : index
    %swap3A_28 = vector.load %arg5[%swap3A_26, %swap3A_27] : memref<1000x256xf32, #tpu.memory_space<vmem>>, vector<1000x256xf32>
    tpu.vector_store %arg5[%swap3A_26, %swap3A_27], %dot_general3A_25 {strides = array<i32>} : memref<1000x256xf32, #tpu.memory_space<vmem>>, vector<1000x256xf32>,
    return
  }
  func.func @transform_0(%arg0: i32) -> (i32, i32) {
    %c0_i32 = arith.constant 0 : i32
    %c0_i32_0 = arith.constant 0 : i32
    return %arg0, %c0_i32 : i32, i32
  }
  func.func @transform_1(%arg0: i32) -> (i32, i32) {
    %c0_i32 = arith.constant 0 : i32
    %c0_i32_0 = arith.constant 0 : i32
    %c0_i32_1 = arith.constant 0 : i32
    return %c0_i32, %c0_i32_0 : i32, i32
  }
  func.func @transform_2(%arg0: i32) -> (i32, i32) {
    %c0_i32 = arith.constant 0 : i32
    %c0_i32_0 = arith.constant 0 : i32
    %c0_i32_1 = arith.constant 0 : i32
    return %c0_i32, %c0_i32_0 : i32, i32
  }
  func.func @transform_3(%arg0: i32) -> (i32, i32, i32) {
    %c0_i32 = arith.constant 0 : i32
    %c0_i32_0 = arith.constant 0 : i32
    %c0_i32_1 = arith.constant 0 : i32
    return %c0_i32, %arg0, %c0_i32_0 : i32, i32, i32
  }
  func.func @transform_4(%arg0: i32) -> (i32, i32) {
    %c0_i32 = arith.constant 0 : i32
    %c0_i32_0 = arith.constant 0 : i32
    return %arg0, %c0_i32 : i32, i32
  }
}

module attributes {stable_mosaic.version = 14 : i64} {
  func.func @body(%arg0: i32, %arg1: memref<1000x256xf32, #tpu.memory_space<vmem>>, %arg2: memref<2x1000x128xf32, #tpu.memory_space<vmem>>, %arg3: memref<1x256xf32, #tpu.memory_space<vmem>>, %arg4: memref<256x256xf32, #tpu.memory_space<vmem>>, %arg5: memref<256x256xf32, #tpu.memory_space<vmem>>, %arg6: memref<2x1000x128xf32, #tpu.memory_space<vmem>>, %arg7: memref<1000x256xf32, #tpu.memory_space<vmem>>) attributes {dimension_semantics = [#tpu.dimension_semantics<arbitrary>], iteration_bounds = array<i64: 10>, scalar_prefetch = 0 : i64, scratch_operands = 0 : i64, tpu.core_type = #tpu.core_type<tc>, window_params = [{transform_indices = @transform_0, window_bounds = array<i64: 1000, 256>}, {transform_indices = @transform_1, window_bounds = array<i64: 2, 1000, 128>}, {pipeline_mode = #tpu.pipeline_mode<synchronous>, transform_indices = @transform_2, window_bounds = array<i64: 1, 256>}, {pipeline_mode = #tpu.pipeline_mode<synchronous>, transform_indices = @transform_3, window_bounds = array<i64: 256, 256>}, {pipeline_mode = #tpu.pipeline_mode<synchronous>, transform_indices = @transform_4, window_bounds = array<i64: 256, 256>}, {transform_indices = @transform_5, window_bounds = array<i64: 2, 1000, 128>}, {transform_indices = @transform_6, window_bounds = array<i64: 1000, 256>}]} {
    %get3A = arith.constant 0 : index
    %get3A_0 = arith.constant 0 : index
    %get3A_1 = vector.load %arg1[%get3A, %get3A_0] : memref<1000x256xf32, #tpu.memory_space<vmem>>, vector<1000x128xf32>
    %get3A_2 = arith.constant 0 : index
    %get3A_3 = arith.constant 0 : index
    %get3A_4 = arith.constant 0 : index
    %get3A_5 = vector.load %arg2[%get3A_2, %get3A_3, %get3A_4] : memref<2x1000x128xf32, #tpu.memory_space<vmem>>, vector<1x1000x128xf32>
    %get3A_6 = vector.shape_cast %get3A_5 : vector<1x1000x128xf32> to vector<1000x128xf32>
    %add3A = arith.addf %get3A_1, %get3A_6 : vector<1000x128xf32>
    %get3A_7 = arith.constant 0 : index
    %get3A_8 = arith.constant 128 : index
    %get3A_9 = vector.load %arg1[%get3A_7, %get3A_8] : memref<1000x256xf32, #tpu.memory_space<vmem>>, vector<1000x128xf32>
    %get3A_10 = arith.constant 1 : index
    %get3A_11 = arith.constant 0 : index
    %get3A_12 = arith.constant 0 : index
    %get3A_13 = vector.load %arg2[%get3A_10, %get3A_11, %get3A_12] : memref<2x1000x128xf32, #tpu.memory_space<vmem>>, vector<1x1000x128xf32>
    %get3A_14 = vector.shape_cast %get3A_13 : vector<1x1000x128xf32> to vector<1000x128xf32>
    %add3A_15 = arith.addf %get3A_9, %get3A_14 : vector<1000x128xf32>
    %concatenate3A = tpu.concatenate %add3A, %add3A_15 in 1 : vector<1000x128xf32>, vector<1000x128xf32> -> vector<1000x256xf32>
    %get3A_16 = arith.constant 0 : index
    %get3A_17 = arith.constant 0 : index
    %get3A_18 = vector.load %arg3[%get3A_16, %get3A_17] : memref<1x256xf32, #tpu.memory_space<vmem>>, vector<1x256xf32>
    %add3A_19 = vector.broadcast %get3A_18 : vector<1x256xf32> to vector<1000x256xf32>
    %add3A_20 = arith.addf %concatenate3A, %add3A_19 : vector<1000x256xf32>
    %get3A_21 = arith.constant 0 : index
    %get3A_22 = arith.constant 0 : index
    %get3A_23 = vector.load %arg4[%get3A_21, %get3A_22] : memref<256x256xf32, #tpu.memory_space<vmem>>, vector<256x256xf32>
    %dot_general3A = arith.constant dense<0.000000e+00> : vector<1000x256xf32>
    %dot_general3A_24 = tpu.matmul %add3A_20, %get3A_23, %dot_general3A {dimension_numbers = #tpu.dot_dimension_numbers<[1], [0], [0], [1], [0, 0, 1, 1], [], []>, transpose_lhs_hint = false} : vector<1000x256xf32>, vector<256x256xf32>, vector<1000x256xf32> -> vector<1000x256xf32>
    %slice3A = vector.extract_strided_slice %dot_general3A_24 {offsets = [0, 0], sizes = [1000, 128], strides = [1, 1]} : vector<1000x256xf32> to vector<1000x128xf32>
    %swap3A = arith.constant 0 : index
    %swap3A_25 = arith.constant 0 : index
    %swap3A_26 = arith.constant 0 : index
    %swap3A_27 = vector.load %arg6[%swap3A, %swap3A_25, %swap3A_26] : memref<2x1000x128xf32, #tpu.memory_space<vmem>>, vector<1x1000x128xf32>
    %swap3A_28 = vector.shape_cast %swap3A_27 : vector<1x1000x128xf32> to vector<1000x128xf32>
    %swap3A_29 = vector.shape_cast %slice3A : vector<1000x128xf32> to vector<1x1000x128xf32>
    tpu.vector_store %arg6[%swap3A, %swap3A_25, %swap3A_26], %swap3A_29 {strides = array<i32>} : memref<2x1000x128xf32, #tpu.memory_space<vmem>>, vector<1x1000x128xf32>,
    %slice3A_30 = vector.extract_strided_slice %dot_general3A_24 {offsets = [0, 128], sizes = [1000, 128], strides = [1, 1]} : vector<1000x256xf32> to vector<1000x128xf32>
    %swap3A_31 = arith.constant 1 : index
    %swap3A_32 = arith.constant 0 : index
    %swap3A_33 = arith.constant 0 : index
    %swap3A_34 = vector.load %arg6[%swap3A_31, %swap3A_32, %swap3A_33] : memref<2x1000x128xf32, #tpu.memory_space<vmem>>, vector<1x1000x128xf32>
    %swap3A_35 = vector.shape_cast %swap3A_34 : vector<1x1000x128xf32> to vector<1000x128xf32>
    %swap3A_36 = vector.shape_cast %slice3A_30 : vector<1000x128xf32> to vector<1x1000x128xf32>
    tpu.vector_store %arg6[%swap3A_31, %swap3A_32, %swap3A_33], %swap3A_36 {strides = array<i32>} : memref<2x1000x128xf32, #tpu.memory_space<vmem>>, vector<1x1000x128xf32>,
    %get3A_37 = arith.constant 0 : index
    %get3A_38 = arith.constant 0 : index
    %get3A_39 = vector.load %arg5[%get3A_37, %get3A_38] : memref<256x256xf32, #tpu.memory_space<vmem>>, vector<256x256xf32>
    %dot_general3A_40 = arith.constant dense<0.000000e+00> : vector<1000x256xf32>
    %dot_general3A_41 = tpu.matmul %add3A_20, %get3A_39, %dot_general3A_40 {dimension_numbers = #tpu.dot_dimension_numbers<[1], [0], [0], [1], [0, 0, 1, 1], [], []>, transpose_lhs_hint = false} : vector<1000x256xf32>, vector<256x256xf32>, vector<1000x256xf32> -> vector<1000x256xf32>
    %swap3A_42 = arith.constant 0 : index
    %swap3A_43 = arith.constant 0 : index
    %swap3A_44 = vector.load %arg7[%swap3A_42, %swap3A_43] : memref<1000x256xf32, #tpu.memory_space<vmem>>, vector<1000x256xf32>
    tpu.vector_store %arg7[%swap3A_42, %swap3A_43], %dot_general3A_41 {strides = array<i32>} : memref<1000x256xf32, #tpu.memory_space<vmem>>, vector<1000x256xf32>,
    return
  }
  func.func @transform_0(%arg0: i32) -> (i32, i32) {
    %c0_i32 = arith.constant 0 : i32
    %c0_i32_0 = arith.constant 0 : i32
    return %arg0, %c0_i32 : i32, i32
  }
  func.func @transform_1(%arg0: i32) -> (i32, i32, i32) {
    %c0_i32 = arith.constant 0 : i32
    %c0_i32_0 = arith.constant 0 : i32
    %c0_i32_1 = arith.constant 0 : i32
    return %c0_i32, %arg0, %c0_i32_0 : i32, i32, i32
  }
  func.func @transform_2(%arg0: i32) -> (i32, i32) {
    %c0_i32 = arith.constant 0 : i32
    %c0_i32_0 = arith.constant 0 : i32
    %c0_i32_1 = arith.constant 0 : i32
    return %c0_i32, %c0_i32_0 : i32, i32
  }
  func.func @transform_3(%arg0: i32) -> (i32, i32) {
    %c0_i32 = arith.constant 0 : i32
    %c0_i32_0 = arith.constant 0 : i32
    %c0_i32_1 = arith.constant 0 : i32
    return %c0_i32, %c0_i32_0 : i32, i32
  }
  func.func @transform_4(%arg0: i32) -> (i32, i32) {
    %c0_i32 = arith.constant 0 : i32
    %c0_i32_0 = arith.constant 0 : i32
    %c0_i32_1 = arith.constant 0 : i32
    return %c0_i32, %c0_i32_0 : i32, i32
  }
  func.func @transform_5(%arg0: i32) -> (i32, i32, i32) {
    %c0_i32 = arith.constant 0 : i32
    %c0_i32_0 = arith.constant 0 : i32
    %c0_i32_1 = arith.constant 0 : i32
    return %c0_i32, %arg0, %c0_i32_0 : i32, i32, i32
  }
  func.func @transform_6(%arg0: i32) -> (i32, i32) {
    %c0_i32 = arith.constant 0 : i32
    %c0_i32_0 = arith.constant 0 : i32
    return %arg0, %c0_i32 : i32, i32
  }
}

module attributes {stable_mosaic.version = 14 : i64} {
  func.func @body(%arg0: i32, %arg1: memref<1000x256xf32, #tpu.memory_space<vmem>>, %arg2: memref<2x1000x128xf32, #tpu.memory_space<vmem>>, %arg3: memref<1x256xf32, #tpu.memory_space<vmem>>, %arg4: memref<256x768xf32, #tpu.memory_space<vmem>>, %arg5: memref<1x768xf32, #tpu.memory_space<vmem>>, %arg6: memref<1x768xf32, #tpu.memory_space<vmem>>, %arg7: memref<256x768xf32, #tpu.memory_space<vmem>>, %arg8: memref<1x768xf32, #tpu.memory_space<vmem>>, %arg9: memref<1x768xf32, #tpu.memory_space<vmem>>, %arg10: memref<256x128xf32, #tpu.memory_space<vmem>>, %arg11: memref<1x128xf32, #tpu.memory_space<vmem>>, %arg12: memref<1000x128xf32, #tpu.memory_space<vmem>>) attributes {dimension_semantics = [#tpu.dimension_semantics<arbitrary>], iteration_bounds = array<i64: 10>, scalar_prefetch = 0 : i64, scratch_operands = 0 : i64, tpu.core_type = #tpu.core_type<tc>, window_params = [{transform_indices = @transform_0, window_bounds = array<i64: 1000, 256>}, {transform_indices = @transform_1, window_bounds = array<i64: 2, 1000, 128>}, {pipeline_mode = #tpu.pipeline_mode<synchronous>, transform_indices = @transform_2, window_bounds = array<i64: 1, 256>}, {pipeline_mode = #tpu.pipeline_mode<synchronous>, transform_indices = @transform_3, window_bounds = array<i64: 256, 768>}, {pipeline_mode = #tpu.pipeline_mode<synchronous>, transform_indices = @transform_4, window_bounds = array<i64: 1, 768>}, {pipeline_mode = #tpu.pipeline_mode<synchronous>, transform_indices = @transform_5, window_bounds = array<i64: 1, 768>}, {pipeline_mode = #tpu.pipeline_mode<synchronous>, transform_indices = @transform_6, window_bounds = array<i64: 256, 768>}, {pipeline_mode = #tpu.pipeline_mode<synchronous>, transform_indices = @transform_7, window_bounds = array<i64: 1, 768>}, {pipeline_mode = #tpu.pipeline_mode<synchronous>, transform_indices = @transform_8, window_bounds = array<i64: 1, 768>}, {pipeline_mode = #tpu.pipeline_mode<synchronous>, transform_indices = @transform_9, window_bounds = array<i64: 256, 128>}, {pipeline_mode = #tpu.pipeline_mode<synchronous>, transform_indices = @transform_10, window_bounds = array<i64: 1, 128>}, {transform_indices = @transform_11, window_bounds = array<i64: 1000, 128>}]} {
    %get3A = arith.constant 0 : index
    %get3A_0 = arith.constant 0 : index
    %get3A_1 = vector.load %arg1[%get3A, %get3A_0] : memref<1000x256xf32, #tpu.memory_space<vmem>>, vector<1000x128xf32>
    %get3A_2 = arith.constant 0 : index
    %get3A_3 = arith.constant 0 : index
    %get3A_4 = arith.constant 0 : index
    %get3A_5 = vector.load %arg2[%get3A_2, %get3A_3, %get3A_4] : memref<2x1000x128xf32, #tpu.memory_space<vmem>>, vector<1x1000x128xf32>
    %get3A_6 = vector.shape_cast %get3A_5 : vector<1x1000x128xf32> to vector<1000x128xf32>
    %add3A = arith.addf %get3A_1, %get3A_6 : vector<1000x128xf32>
    %get3A_7 = arith.constant 0 : index
    %get3A_8 = arith.constant 128 : index
    %get3A_9 = vector.load %arg1[%get3A_7, %get3A_8] : memref<1000x256xf32, #tpu.memory_space<vmem>>, vector<1000x128xf32>
    %get3A_10 = arith.constant 1 : index
    %get3A_11 = arith.constant 0 : index
    %get3A_12 = arith.constant 0 : index
    %get3A_13 = vector.load %arg2[%get3A_10, %get3A_11, %get3A_12] : memref<2x1000x128xf32, #tpu.memory_space<vmem>>, vector<1x1000x128xf32>
    %get3A_14 = vector.shape_cast %get3A_13 : vector<1x1000x128xf32> to vector<1000x128xf32>
    %add3A_15 = arith.addf %get3A_9, %get3A_14 : vector<1000x128xf32>
    %concatenate3A = tpu.concatenate %add3A, %add3A_15 in 1 : vector<1000x128xf32>, vector<1000x128xf32> -> vector<1000x256xf32>
    %get3A_16 = arith.constant 0 : index
    %get3A_17 = arith.constant 0 : index
    %get3A_18 = vector.load %arg3[%get3A_16, %get3A_17] : memref<1x256xf32, #tpu.memory_space<vmem>>, vector<1x256xf32>
    %add3A_19 = vector.broadcast %get3A_18 : vector<1x256xf32> to vector<1000x256xf32>
    %add3A_20 = arith.addf %concatenate3A, %add3A_19 : vector<1000x256xf32>
    %get3A_21 = arith.constant 0 : index
    %get3A_22 = arith.constant 0 : index
    %get3A_23 = vector.load %arg4[%get3A_21, %get3A_22] : memref<256x768xf32, #tpu.memory_space<vmem>>, vector<256x768xf32>
    %dot_general3A = arith.constant dense<0.000000e+00> : vector<1000x768xf32>
    %dot_general3A_24 = tpu.matmul %add3A_20, %get3A_23, %dot_general3A {dimension_numbers = #tpu.dot_dimension_numbers<[1], [0], [0], [1], [0, 0, 1, 1], [], []>, transpose_lhs_hint = false} : vector<1000x256xf32>, vector<256x768xf32>, vector<1000x768xf32> -> vector<1000x768xf32>
    %get3A_25 = arith.constant 0 : index
    %get3A_26 = arith.constant 0 : index
    %get3A_27 = vector.load %arg5[%get3A_25, %get3A_26] : memref<1x768xf32, #tpu.memory_space<vmem>>, vector<1x768xf32>
    %add3A_28 = vector.broadcast %get3A_27 : vector<1x768xf32> to vector<1000x768xf32>
    %add3A_29 = arith.addf %dot_general3A_24, %add3A_28 : vector<1000x768xf32>
    %get3A_30 = arith.constant 0 : index
    %get3A_31 = arith.constant 0 : index
    %get3A_32 = vector.load %arg6[%get3A_30, %get3A_31] : memref<1x768xf32, #tpu.memory_space<vmem>>, vector<1x768xf32>
    %slice3A = vector.extract_strided_slice %add3A_29 {offsets = [0, 0], sizes = [1000, 256], strides = [1, 1]} : vector<1000x768xf32> to vector<1000x256xf32>
    %slice3A_33 = vector.extract_strided_slice %get3A_32 {offsets = [0, 0], sizes = [1, 256], strides = [1, 1]} : vector<1x768xf32> to vector<1x256xf32>
    %add3A_34 = vector.broadcast %slice3A_33 : vector<1x256xf32> to vector<1000x256xf32>
    %add3A_35 = arith.addf %slice3A, %add3A_34 : vector<1000x256xf32>
    %logistic3A = arith.negf %add3A_35 : vector<1000x256xf32>
    %logistic3A_36 = math.exp %logistic3A : vector<1000x256xf32>
    %logistic3A_37 = arith.constant 1.000000e+00 : f32
    %logistic3A_38 = vector.broadcast %logistic3A_37 : f32 to vector<1000x256xf32>
    %logistic3A_39 = arith.addf %logistic3A_38, %logistic3A_36 : vector<1000x256xf32>
    %logistic3A_40 = arith.divf %logistic3A_38, %logistic3A_39 : vector<1000x256xf32>
    %slice3A_41 = vector.extract_strided_slice %add3A_29 {offsets = [0, 256], sizes = [1000, 256], strides = [1, 1]} : vector<1000x768xf32> to vector<1000x256xf32>
    %slice3A_42 = vector.extract_strided_slice %get3A_32 {offsets = [0, 256], sizes = [1, 256], strides = [1, 1]} : vector<1x768xf32> to vector<1x256xf32>
    %add3A_43 = vector.broadcast %slice3A_42 : vector<1x256xf32> to vector<1000x256xf32>
    %add3A_44 = arith.addf %slice3A_41, %add3A_43 : vector<1000x256xf32>
    %logistic3A_45 = arith.negf %add3A_44 : vector<1000x256xf32>
    %logistic3A_46 = math.exp %logistic3A_45 : vector<1000x256xf32>
    %logistic3A_47 = arith.constant 1.000000e+00 : f32
    %logistic3A_48 = vector.broadcast %logistic3A_47 : f32 to vector<1000x256xf32>
    %logistic3A_49 = arith.addf %logistic3A_48, %logistic3A_46 : vector<1000x256xf32>
    %logistic3A_50 = arith.divf %logistic3A_48, %logistic3A_49 : vector<1000x256xf32>
    %slice3A_51 = vector.extract_strided_slice %add3A_29 {offsets = [0, 512], sizes = [1000, 256], strides = [1, 1]} : vector<1000x768xf32> to vector<1000x256xf32>
    %slice3A_52 = vector.extract_strided_slice %get3A_32 {offsets = [0, 512], sizes = [1, 256], strides = [1, 1]} : vector<1x768xf32> to vector<1x256xf32>
    %mul3A = vector.broadcast %slice3A_52 : vector<1x256xf32> to vector<1000x256xf32>
    %mul3A_53 = arith.mulf %logistic3A_40, %mul3A : vector<1000x256xf32>
    %add3A_54 = arith.addf %slice3A_51, %mul3A_53 : vector<1000x256xf32>
    %tanh3A = math.tanh %add3A_54 : vector<1000x256xf32>
    %sub3A = arith.constant 1.000000e+00 : f32
    %sub3A_55 = vector.broadcast %sub3A : f32 to vector<1000x256xf32>
    %sub3A_56 = arith.subf %sub3A_55, %logistic3A_50 : vector<1000x256xf32>
    %mul3A_57 = arith.mulf %sub3A_56, %tanh3A : vector<1000x256xf32>
    %get3A_58 = arith.constant 0 : index
    %get3A_59 = arith.constant 0 : index
    %get3A_60 = vector.load %arg7[%get3A_58, %get3A_59] : memref<256x768xf32, #tpu.memory_space<vmem>>, vector<256x768xf32>
    %dot_general3A_61 = arith.constant dense<0.000000e+00> : vector<1000x768xf32>
    %dot_general3A_62 = tpu.matmul %mul3A_57, %get3A_60, %dot_general3A_61 {dimension_numbers = #tpu.dot_dimension_numbers<[1], [0], [0], [1], [0, 0, 1, 1], [], []>, transpose_lhs_hint = false} : vector<1000x256xf32>, vector<256x768xf32>, vector<1000x768xf32> -> vector<1000x768xf32>
    %get3A_63 = arith.constant 0 : index
    %get3A_64 = arith.constant 0 : index
    %get3A_65 = vector.load %arg8[%get3A_63, %get3A_64] : memref<1x768xf32, #tpu.memory_space<vmem>>, vector<1x768xf32>
    %add3A_66 = vector.broadcast %get3A_65 : vector<1x768xf32> to vector<1000x768xf32>
    %add3A_67 = arith.addf %dot_general3A_62, %add3A_66 : vector<1000x768xf32>
    %get3A_68 = arith.constant 0 : index
    %get3A_69 = arith.constant 0 : index
    %get3A_70 = vector.load %arg9[%get3A_68, %get3A_69] : memref<1x768xf32, #tpu.memory_space<vmem>>, vector<1x768xf32>
    %slice3A_71 = vector.extract_strided_slice %add3A_67 {offsets = [0, 0], sizes = [1000, 256], strides = [1, 1]} : vector<1000x768xf32> to vector<1000x256xf32>
    %slice3A_72 = vector.extract_strided_slice %get3A_70 {offsets = [0, 0], sizes = [1, 256], strides = [1, 1]} : vector<1x768xf32> to vector<1x256xf32>
    %add3A_73 = vector.broadcast %slice3A_72 : vector<1x256xf32> to vector<1000x256xf32>
    %add3A_74 = arith.addf %slice3A_71, %add3A_73 : vector<1000x256xf32>
    %logistic3A_75 = arith.negf %add3A_74 : vector<1000x256xf32>
    %logistic3A_76 = math.exp %logistic3A_75 : vector<1000x256xf32>
    %logistic3A_77 = arith.constant 1.000000e+00 : f32
    %logistic3A_78 = vector.broadcast %logistic3A_77 : f32 to vector<1000x256xf32>
    %logistic3A_79 = arith.addf %logistic3A_78, %logistic3A_76 : vector<1000x256xf32>
    %logistic3A_80 = arith.divf %logistic3A_78, %logistic3A_79 : vector<1000x256xf32>
    %slice3A_81 = vector.extract_strided_slice %add3A_67 {offsets = [0, 256], sizes = [1000, 256], strides = [1, 1]} : vector<1000x768xf32> to vector<1000x256xf32>
    %slice3A_82 = vector.extract_strided_slice %get3A_70 {offsets = [0, 256], sizes = [1, 256], strides = [1, 1]} : vector<1x768xf32> to vector<1x256xf32>
    %add3A_83 = vector.broadcast %slice3A_82 : vector<1x256xf32> to vector<1000x256xf32>
    %add3A_84 = arith.addf %slice3A_81, %add3A_83 : vector<1000x256xf32>
    %logistic3A_85 = arith.negf %add3A_84 : vector<1000x256xf32>
    %logistic3A_86 = math.exp %logistic3A_85 : vector<1000x256xf32>
    %logistic3A_87 = arith.constant 1.000000e+00 : f32
    %logistic3A_88 = vector.broadcast %logistic3A_87 : f32 to vector<1000x256xf32>
    %logistic3A_89 = arith.addf %logistic3A_88, %logistic3A_86 : vector<1000x256xf32>
    %logistic3A_90 = arith.divf %logistic3A_88, %logistic3A_89 : vector<1000x256xf32>
    %slice3A_91 = vector.extract_strided_slice %add3A_67 {offsets = [0, 512], sizes = [1000, 256], strides = [1, 1]} : vector<1000x768xf32> to vector<1000x256xf32>
    %slice3A_92 = vector.extract_strided_slice %get3A_70 {offsets = [0, 512], sizes = [1, 256], strides = [1, 1]} : vector<1x768xf32> to vector<1x256xf32>
    %mul3A_93 = vector.broadcast %slice3A_92 : vector<1x256xf32> to vector<1000x256xf32>
    %mul3A_94 = arith.mulf %logistic3A_80, %mul3A_93 : vector<1000x256xf32>
    %add3A_95 = arith.addf %slice3A_91, %mul3A_94 : vector<1000x256xf32>
    %tanh3A_96 = math.tanh %add3A_95 : vector<1000x256xf32>
    %sub3A_97 = arith.constant 1.000000e+00 : f32
    %sub3A_98 = vector.broadcast %sub3A_97 : f32 to vector<1000x256xf32>
    %sub3A_99 = arith.subf %sub3A_98, %logistic3A_90 : vector<1000x256xf32>
    %mul3A_100 = arith.mulf %sub3A_99, %tanh3A_96 : vector<1000x256xf32>
    %get3A_101 = arith.constant 0 : index
    %get3A_102 = arith.constant 0 : index
    %get3A_103 = vector.load %arg10[%get3A_101, %get3A_102] : memref<256x128xf32, #tpu.memory_space<vmem>>, vector<256x128xf32>
    %dot_general3A_104 = arith.constant dense<0.000000e+00> : vector<1000x128xf32>
    %dot_general3A_105 = tpu.matmul %mul3A_100, %get3A_103, %dot_general3A_104 {dimension_numbers = #tpu.dot_dimension_numbers<[1], [0], [0], [1], [0, 0, 1, 1], [], []>, transpose_lhs_hint = false} : vector<1000x256xf32>, vector<256x128xf32>, vector<1000x128xf32> -> vector<1000x128xf32>
    %get3A_106 = arith.constant 0 : index
    %get3A_107 = arith.constant 0 : index
    %get3A_108 = vector.load %arg11[%get3A_106, %get3A_107] : memref<1x128xf32, #tpu.memory_space<vmem>>, vector<1x128xf32>
    %add3A_109 = vector.broadcast %get3A_108 : vector<1x128xf32> to vector<1000x128xf32>
    %add3A_110 = arith.addf %dot_general3A_105, %add3A_109 : vector<1000x128xf32>
    %swap3A = arith.constant 0 : index
    %swap3A_111 = arith.constant 0 : index
    %swap3A_112 = vector.load %arg12[%swap3A, %swap3A_111] : memref<1000x128xf32, #tpu.memory_space<vmem>>, vector<1000x128xf32>
    tpu.vector_store %arg12[%swap3A, %swap3A_111], %add3A_110 {strides = array<i32>} : memref<1000x128xf32, #tpu.memory_space<vmem>>, vector<1000x128xf32>,
    return
  }
  func.func @transform_0(%arg0: i32) -> (i32, i32) {
    %c0_i32 = arith.constant 0 : i32
    %c0_i32_0 = arith.constant 0 : i32
    return %arg0, %c0_i32 : i32, i32
  }
  func.func @transform_1(%arg0: i32) -> (i32, i32, i32) {
    %c0_i32 = arith.constant 0 : i32
    %c0_i32_0 = arith.constant 0 : i32
    %c0_i32_1 = arith.constant 0 : i32
    return %c0_i32, %arg0, %c0_i32_0 : i32, i32, i32
  }
  func.func @transform_2(%arg0: i32) -> (i32, i32) {
    %c0_i32 = arith.constant 0 : i32
    %c0_i32_0 = arith.constant 0 : i32
    %c0_i32_1 = arith.constant 0 : i32
    return %c0_i32, %c0_i32_0 : i32, i32
  }
  func.func @transform_3(%arg0: i32) -> (i32, i32) {
    %c0_i32 = arith.constant 0 : i32
    %c0_i32_0 = arith.constant 0 : i32
    %c0_i32_1 = arith.constant 0 : i32
    return %c0_i32, %c0_i32_0 : i32, i32
  }
  func.func @transform_4(%arg0: i32) -> (i32, i32) {
    %c0_i32 = arith.constant 0 : i32
    %c0_i32_0 = arith.constant 0 : i32
    %c0_i32_1 = arith.constant 0 : i32
    return %c0_i32, %c0_i32_0 : i32, i32
  }
  func.func @transform_5(%arg0: i32) -> (i32, i32) {
    %c0_i32 = arith.constant 0 : i32
    %c0_i32_0 = arith.constant 0 : i32
    %c0_i32_1 = arith.constant 0 : i32
    return %c0_i32, %c0_i32_0 : i32, i32
  }
  func.func @transform_6(%arg0: i32) -> (i32, i32) {
    %c0_i32 = arith.constant 0 : i32
    %c0_i32_0 = arith.constant 0 : i32
    %c0_i32_1 = arith.constant 0 : i32
    return %c0_i32, %c0_i32_0 : i32, i32
  }
  func.func @transform_7(%arg0: i32) -> (i32, i32) {
    %c0_i32 = arith.constant 0 : i32
    %c0_i32_0 = arith.constant 0 : i32
    %c0_i32_1 = arith.constant 0 : i32
    return %c0_i32, %c0_i32_0 : i32, i32
  }
  func.func @transform_8(%arg0: i32) -> (i32, i32) {
    %c0_i32 = arith.constant 0 : i32
    %c0_i32_0 = arith.constant 0 : i32
    %c0_i32_1 = arith.constant 0 : i32
    return %c0_i32, %c0_i32_0 : i32, i32
  }
  func.func @transform_9(%arg0: i32) -> (i32, i32) {
    %c0_i32 = arith.constant 0 : i32
    %c0_i32_0 = arith.constant 0 : i32
    %c0_i32_1 = arith.constant 0 : i32
    return %c0_i32, %c0_i32_0 : i32, i32
  }
  func.func @transform_10(%arg0: i32) -> (i32, i32) {
    %c0_i32 = arith.constant 0 : i32
    %c0_i32_0 = arith.constant 0 : i32
    %c0_i32_1 = arith.constant 0 : i32
    return %c0_i32, %c0_i32_0 : i32, i32
  }
  func.func @transform_11(%arg0: i32) -> (i32, i32) {
    %c0_i32 = arith.constant 0 : i32
    %c0_i32_0 = arith.constant 0 : i32
    return %arg0, %c0_i32 : i32, i32
  }
}

</mosaic_0001>

<sc_bundles>
// kernel: kernel.10.cloned.1.call-start
scs
__scs_entry_jumppad:
0x0: {  	(pc) =	sbr.rel $0x88, $3  }
0x1: {  	(tag) =	ssettag $0x0;
	lr =	simm.s32 $0x1  }
0x2: {  	[smem:$0x3F91] =	sst lr;
	_ =	strace $0xD0000000  }
0x3: {  	_ = 	snop  }
0x4: {  	_ = 	snop  }
0x5: {  	_ = 	snop  }
0x6: {  	_ = 	snop  }
0x7: {  	_ = 	snop  }
__scs_overlays_trampoline_lowered:
0x8: {  	[smem:$0x3FA0] =	sst s0  }
0x9: {  	[smem:$0x3FA1] =	sst s1  }
0xa: {  	[smem:$0x3FA2] =	sst s2  }
0xb: {  	[smem:$0x3FA3] =	sst s3  }
0xc: {  	[smem:$0x3FA4] =	sst s4  }
0xd: {  	[smem:$0x3FA5] =	sst s5  }
0xe: {  	[smem:$0x3FA6] =	sst s6  }
0xf: {  	[smem:$0x3FA7] =	sst s7  }
0x10: {  	[smem:$0x3FA8] =	sst s8  }
0x11: {  	[smem:$0x3FA9] =	sst s9;
	s0 =	simm.s32 @!p0 $0x0  }
0x12: {  	s1 =	sld [smem:$0x3F8F];
	s0 =	simm.s32 @p0 $0x1  }
0x13: {  	[smem:$0x3FAA] =	sst s0;
	s0 =	simm.s32 @!p1 $0x0  }
0x14: {  	s2 =	sld [smem:$0x3F8E];
	s0 =	simm.s32 @p1 $0x1  }
0x15: {  	[smem:$0x3FAB] =	sst s0;
	s0 =	simm.s32 @!p2 $0x0  }
0x16: {  	s3 =	sld [smem:$0x3FDB];
	s0 =	simm.s32 @p2 $0x1  }
0x17: {  	s4 =	simm.s32 $0x1BF5;
	[smem:$0x3FAD] =	sst s0  }
0x18: {  	s0 =	sld [smem:$0x3F90];
	_ =	swait.ge [sflag:s4], $0x0  }
0x19: {  	s7 =	sld [smem:$0x3F91]  }
0x1a: {  	s8 =	sadd.s32 $0xFFFFE003, lr  }
0x1b: {  	s9 =	sadd.s32 $0xFFFFFEF7, lr;
	s5 =	simm.s32 $0xFFFFFFFF;
	p2 =	slt.u32 s8, $0xFFFFF086  }
0x1c: {  	p1 =	slt.u32 s9, $0xF7A;
	s5 =	simm.s32 @!p2 $0x0  }
0x1d: {  	s5 =	simm.s32 @p1 $0x1;
	p0 =	seq.s32 s7, s2  }
0x1e: {  	s7 =	smul.u32 @!p0 $0xF7A, s2;
	p2 =	seq.s32 @!p0 s5, $0x0  }
0x1f: {  	s9 =	smul.u32 $0xF7A, s1;
	s8 =	simm.s32 @!p0 $0x1BF5;
	p2 =	por !p2, p0  }
0x20: {  	[sflag:s8] =	ssyncset.s32 @!p0 $0xFFFFF086;
	s6 =	sadd.s32 @!p0 s3, s7;
	s7 =	simm.s32 @!p0 $0x108  }
0x21: {  	s3 =	sadd.s32 s3, s9;
	s6 =	sadd.s32 @!p0 $0x88, s6;
	s7 =	simm.s32 @p2 $0x1082  }
0x22: {  	[simem:s7], [sflag:s8] =	dma.local @!p0 [hbm:s6], $0xF7A  }
0x23: {  	s9 =	sor.u32 $0xD0000000, s2;
	s6 =	simm.s32 $0x108;
	_ =	swait.ge @!p0 [sflag:s8], $0x0  }
0x24: {  	s3 =	sadd.s32 $0x88, s3;
	s6 =	simm.s32 @!p1 $0x1082;
	[sflag:s4] =	ssyncset.s32 $0xFFFFF086  }
0x25: {  	[simem:s6], [sflag:s4] =	dma.local [hbm:s3], $0xF7A  }
0x26: {  	[smem:$0x3F91] =	sst s1;
	(tag) =	ssettag s2;
	_ =	strace s9  }
0x27: {  	s1 =	sld [smem:$0x3FA1]  }
0x28: {  	s2 =	sld [smem:$0x3FA2]  }
0x29: {  	s4 =	sld [smem:$0x3FA4]  }
0x2a: {  	p0 =	seq.s32 s5, $0x0;
	s5 =	sld [smem:$0x3FA5]  }
0x2b: {  	s6 =	sld [smem:$0x3FA6]  }
0x2c: {  	s7 =	sld [smem:$0x3FA7]  }
0x2d: {  	s3 =	simm.s32 $0x108;
	s8 =	sld [smem:$0x3FA8]  }
0x2e: {  	s3 =	simm.s32 @!p0 $0x1082;
	s9 =	sld [smem:$0x3FA9]  }
0x2f: {  	lr =	sadd.s32 s0, s3;
	s0 =	sld [smem:$0x3FA0]  }
0x30: {  	s3 =	sld [smem:$0x3FA3]  }
0x31: {  	[smem:$0x3FAC] =	sst s10  }
0x32: {  	s10 =	sld [smem:$0x3FAA];
	_ =	sdelay $0x3  }
0x33: {  	p0 =	seq.s32 s10, $0x1;
	s10 =	sld [smem:$0x3FAC];
	_ =	sdelay $0x3  }
0x34: {  	[smem:$0x3FAC] =	sst s10  }
0x35: {  	s10 =	sld [smem:$0x3FAB];
	_ =	sdelay $0x3  }
0x36: {  	p1 =	seq.s32 s10, $0x1;
	s10 =	sld [smem:$0x3FAC];
	_ =	sdelay $0x3  }
0x37: {  	[smem:$0x3FAC] =	sst s10  }
0x38: {  	s10 =	sld [smem:$0x3FAD]  }
0x39: {  	_ = 	snop;
	(pc) =	sbr.ind lr, $3  }
0x3a: {  	_ = 	snop  }
0x3b: {  	_ = 	snop  }
0x3c: {  	p2 =	seq.s32 s10, $0x1;
	s10 =	sld [smem:$0x3FAC]  }
0x3d: {  	_ =	shalt  }
0x3e: {  	_ =	shalt  }
0x3f: {  	_ =	shalt  }
0x40: {  	_ =	shalt  }
0x41: {  	_ =	shalt  }
0x42: {  	_ =	shalt  }
0x43: {  	_ =	shalt  }
0x44: {  	_ =	shalt  }
0x45: {  	_ =	shalt  }
0x46: {  	_ =	shalt  }
0x47: {  	_ =	shalt  }
0x48: {  	_ =	shalt  }
0x49: {  	_ =	shalt  }
0x4a: {  	_ =	shalt  }
0x4b: {  	_ =	shalt  }
0x4c: {  	_ =	shalt  }
0x4d: {  	_ =	shalt  }
0x4e: {  	_ =	shalt  }
0x4f: {  	_ =	shalt  }
0x50: {  	_ =	shalt  }
0x51: {  	_ =	shalt  }
0x52: {  	_ =	shalt  }
0x53: {  	_ =	shalt  }
0x54: {  	_ =	shalt  }
0x55: {  	_ =	shalt  }
0x56: {  	_ =	shalt  }
0x57: {  	_ =	shalt  }
0x58: {  	_ =	shalt  }
0x59: {  	_ =	shalt  }
0x5a: {  	_ =	shalt  }
0x5b: {  	_ =	shalt  }
0x5c: {  	_ =	shalt  }
0x5d: {  	_ =	shalt  }
0x5e: {  	_ =	shalt  }
0x5f: {  	_ =	shalt  }
0x60: {  	_ =	shalt  }
0x61: {  	_ =	shalt  }
0x62: {  	_ =	shalt  }
0x63: {  	_ =	shalt  }
0x64: {  	_ =	shalt  }
0x65: {  	_ =	shalt  }
0x66: {  	_ =	shalt  }
0x67: {  	_ =	shalt  }
0x68: {  	_ =	shalt  }
0x69: {  	_ =	shalt  }
0x6a: {  	_ =	shalt  }
0x6b: {  	_ =	shalt  }
0x6c: {  	_ =	shalt  }
0x6d: {  	_ =	shalt  }
0x6e: {  	_ =	shalt  }
0x6f: {  	_ =	shalt  }
0x70: {  	_ =	shalt  }
0x71: {  	_ =	shalt  }
0x72: {  	_ =	shalt  }
0x73: {  	_ =	shalt  }
0x74: {  	_ =	shalt  }
0x75: {  	_ =	shalt  }
0x76: {  	_ =	shalt  }
0x77: {  	_ =	shalt  }
0x78: {  	_ =	shalt  }
0x79: {  	_ =	shalt  }
0x7a: {  	_ =	shalt  }
0x7b: {  	_ =	shalt  }
0x7c: {  	_ =	shalt  }
0x7d: {  	_ =	shalt  }
0x7e: {  	_ =	shalt  }
0x7f: {  	_ =	shalt  }
0x80: {  	_ =	shalt  }
0x81: {  	_ =	shalt  }
0x82: {  	_ =	shalt  }
0x83: {  	_ =	shalt  }
0x84: {  	_ =	shalt  }
0x85: {  	_ =	shalt  }
0x86: {  	_ =	shalt  }
0x87: {  	_ =	shalt  }
.Lfunc_end0:
.L_simem_size_0:
called_computation.1_lowered:
.L_overlay_start_0:
0x88: {  	s2 =	sld [smem:$0x3FD9]  }
0x89: {  	s3 =	sld [smem:$0x3FFE];
	_ =	sdelay $0x1  }
0x8a: {  	s1 =	srdreg.scid  }
0x8b: {  	s0 =	sand.u32 $0x1, s1  }
0x8c: {  	s17 =	sshll.u32 s0, $0xA;
	s2 =	sadd.s32 s3, s2  }
0x8d: {  	s2 =	sadd.s32 s2, s17  }
0x8e: {  	[smem:$0x3FB8] =	sst s2  }
0x8f: {  	_ = 	snop  }
0x90: {  	s2 =	sld [smem:$0x3FD0];
	(tm) =	ssettm $0x1  }
0x91: {  	s18 =	sld [smem:$0x3FFB];
	_ =	sdelay $0x3  }
0x92: {  	_ =	strace s18  }
0x93: {  	s3 =	sld [smem:$0x3FFC];
	_ =	sdelay $0x3  }
0x94: {  	_ =	strace s3  }
0x95: {  	s3 =	sld [smem:$0x3FFD];
	_ =	sdelay $0x3  }
0x96: {  	_ =	strace s3  }
0x97: {  	_ =	strace $0x8FFFFFFF  }
0x98: {  	s19 =	sld [smem:$0x3FDB];
	_ =	sdelay $0x1  }
0x99: {  	s4 =	simm.s32 $_scs_section_size  }
0x9a: {  	s5 =	simm.s32 $_size__tile_overlayer_lowered;
	s6 =	simm.s32 $_tile_overlayer_lowered  }
0x9b: {  	s22 =	simm.s32 $0x1BFF;
	s21 =	sshll.u32 s6, $0x1;
	s3 =	sadd.s32 s4, s19  }
0x9c: {  	s7 =	simm.s32 $0x0;
	s20 =	sshll.u32 s5, $0x1;
	s5 =	sadd.s32 s21, s3  }
0x9d: {  	[timem:s7], [sflag:s22] =	dma.local [hbm:s5], s20  }
0x9e: {  	_ =	swait.ge [sflag:s22], s20  }
0x9f: {  	s4 =	ssub.s32 $0x0, s20;
	[sflag:s22] =	ssyncset.done $0x0  }
0xa0: {  	[sflag:s22] =	ssyncadd.s32 s4;
	_ =	sdelay $0x1  }
0xa1: {  	s23 =	simm.s32 $0x1B8B  }
0xa2: {  	_ =	swait.ge [sflag:s23], $0x1  }
0xa3: {  	[sflag:s23] =	ssyncset.done $0x0  }
0xa4: {  	s25 =	simm.s32 $0x1B8E;
	s24 =	sld [smem:$0x3FFE];
	[sflag:s23] =	ssyncadd.s32 $0xFFFFFFFF  }
0xa5: {  	s26 =	simm.s32 $execute0_lowered;
	[smem:$0x3FD2] =	sst s25  }
0xa6: {  	s5 =	sshll.u32 s26, $0x1;
	_ =	strace $0x80000049;
	[dreg:$0x1] =	wrdreg $0xFFFFFFFF  }
0xa7: {  	s28 =	simm.s32 $_size_execute0_lowered;
	s3 =	sadd.s32 s3, s5;
	[dreg:$0x0] =	wrdreg $0x0  }
0xa8: {  	s5 =	sshll.u32 s28, $0x1;
	[dreg:$0x2] =	wrdreg s3  }
0xa9: {  	[dreg:$0x3] =	wrdreg s5  }
0xaa: {  	[dreg:$0x4] =	wrdreg $0xC0  }
0xab: {  	_ =	task [dreg:s7], $0x5FFFF  }
0xac: {  	[dreg:$0x1] =	wrdreg $0xFFFFFFFF  }
0xad: {  	[dreg:$0x0] =	wrdreg $0x60  }
0xae: {  	[dreg:$0x2] =	wrdreg s24  }
0xaf: {  	[dreg:$0x3] =	wrdreg s2  }
0xb0: {  	[dreg:$0x4] =	wrdreg $0xBC000  }
0xb1: {  	[dreg:$0x5] =	wrdreg $0x9  }
0xb2: {  	_ =	task.clear_ibuf [dreg:s7], $0x6FFFF;
	_ =	strace $0x90000049  }
0xb3: {  	s29 =	simm.s32 $0x9;
	_ =	strace $0x8000004B  }
0xb4: {  	_ =	swait.ge [sflag:s29], $0x1  }
0xb5: {  	[sflag:s29] =	ssyncadd.s32 $0xFFFFFFFF  }
0xb6: {  	_ =	strace $0x9000004B  }
0xb7: {  	_ =	sfence  }
0xb8: {  	s30 =	sld [smem:$0x0];
	_ =	sdelay $0x2  }
0xb9: {  	s31 =	sshll.u32 s1, $0xD;
	s1 =	sshrl.u32 s1, $0x2  }
0xba: {  	s3 =	sand.u32 $0x4000, s31;
	s1 =	sadd.s32 s1, s30  }
0xbb: {  	s0 =	sor.u32 s3, s0;
	s1 =	sshll.u32 s1, $0x11  }
0xbc: {  	s0 =	sor.u32 s1, s0  }
0xbd: {  	s0 =	sadd.s32 $0x8F2B, s0  }
0xbe: {  	[sflag:s0] =	ssyncadd.remote.s32 $0x1  }
0xbf: {  	_ =	sfence.sel $0xFFFF  }
0xc0: {  	[dreg:$0x0] =	wrdreg $0xFFFFFFFF;
	(pc) =	sbr.abs _section_cstart, $3  }
0xc1: {  	[dreg:$0x1] =	wrdreg $0xFFFFFFFF  }
0xc2: {  	_ =	task.clear_ibuf [dreg:s7], $0x2FFFF;
	_ =	strace $0x9FFFFFFF  }
0xc3: {  	(tm) =	ssettm $0x7FFFFFFF  }
tec
execute0_lowered:
.L_overlay_start_1:
0x0: {  	(tag) =	ssettag $0x1  }
0x1: {  	s6 =	rddreg [dreg:$0x0]  }
0x2: {  	s7 =	rddreg [dreg:$0x1]  }
0x3: {  	s2 =	rddreg [dreg:$0x2];
	s3 =	simm.s32 $0x0;
	s0 =	stileid.u32  }
0x4: {  	s5 =	srdreg.scid;
	s15 =	simm.s32 $0x3C00;
	s18 =	simm.s32 $0x1  }
0x5: {  	s19 =	simm.s32 $0x7C00;
	s20 =	simm.s32 $0x2;
	s8 =	smul.u32 $0x2800, s0  }
0x6: {  	s21 =	simm.s32 $0x2780;
	[smem:$0x7FF] =	sst s3;
	s13 =	smul.u32 $0x4E200, s0  }
0x7: {  	s4 =	sadd.s32 $0x7400, s6;
	s10 =	sand.u32 $0x1, s5;
	s26 =	smul.u32 $0x13C00, s0  }
0x8: {  	s5 =	sadd.s32 $0xA3800, s6;
	s12 =	sadd.s32 $0x55600, s6;
	s29 =	smul.u32 $0x4F000, s0  }
0x9: {  	s24 =	sadd.s32 $0x128400, s2;
	s16 =	sshll.u32 s0, $0x6;
	p0 =	seq.s32 s0, $0xF  }
0xa: {  	_ =	strace $0x8000004A;
	s11 =	smul.u32 $0x28000, s10;
	s22 =	ssub.s32 $0x2, s10  }
0xb: {  	s10 =	smul.u32 $0x138800, s10;
	s16 =	sor.u32 $0x1C03, s16;
	s24 =	sshrl.u32 @p0 s24, $0x3  }
0xc: {  	s9 =	sshrl.u32 s8, $0x3;
	s14 =	sshrl.u32 s22, $0x1;
	s13 =	sshrl.u32 s13, $0x2  }
0xd: {  	s31 =	sshrl.u32 s29, $0x2;
	s9 =	sadd.s32 s9, s6;
	s8 =	sadd.s32 s8, s11  }
0xe: {  	s23 =	ssub.s32 s22, s14;
	s17 =	sadd.s32 s13, s2;
	s28 =	sadd.s32 s26, s10  }
0xf: {  	s10 =	sshrl.u32 s10, $0x3;
	s14 =	simm.s32 $0x7D;
	s22 =	simm.s32 $0x3B00  }
0x10: {  	s26 =	simm.s32 $0x0;
	s25 =	sshrl.u32 s8, $0x3;
	s8 =	sadd.s32 $0x2680, s9  }
0x11: {  	s30 =	sshrl.u32 s28, $0x3;
	s10 =	sadd.s32 s12, s10;
	s11 =	smax.u32 s23, $0x1  }
0x12: {  	s17 =	sshrl.u32 s17, $0x3;
	s23 =	simm.s32 $0x3B80;
	s6 =	sadd.s32 s7, s25  }
0x13: {  	s7 =	sadd.s32 $0x2400, s9;
	s9 =	sadd.s32 s12, s30;
	s25 =	sadd.s32 s31, s2  }
0x14: {  	s10 =	sadd.s32 $0x25080, s10;
	s12 =	simm.s32 $0x3;
	s25 =	sshrl.u32 @!p0 s25, $0x3  }
.LBB2_1:
0x15: {  	[tilespmem:s3], [sflag:$0x3] =	stream.linear.gather [hbm4b:s6+s3], $0x2800, $0x38;
	[tilespmem:$0x1F480] =	vst v63  }
0x16: {  	_ =	swait.ge [sflag:s12], $0x2800  }
0x17: {  	[sflag:s12] =	ssyncset.done $0x0  }
0x18: {  	s0 =	simm.s32 $0x2800;
	[sflag:s12] =	ssyncadd.s32 $0xFFFFD800  }
0x19: {  	[tilespmem:s0], [sflag:$0x3] =	stream.linear.gather [hbm4b:s7+s3], $0x1400, $0x38;
	[tilespmem:$0x1F480] =	vst v63  }
0x1a: {  	_ =	swait.ge [sflag:s12], $0x1400  }
0x1b: {  	[sflag:s12] =	ssyncset.done $0x0  }
0x1c: {  	[sflag:s12] =	ssyncadd.s32 $0xFFFFEC00  }
0x1d: {  	[tilespmem:s15], [sflag:$0x1] =	stream.indirect.gather [hbm4b:s4+s14], $0x80, s3, s14, $0xb8;
	[tilespmem:$0x1F480] =	vst v63  }
0x1e: {  	[spmem:s17], [sflag:s16] =	dma.local [hbm:s5], $0x2710  }
0x1f: {  	_ =	swait.ge [sflag:s12], $0x2710  }
0x20: {  	p1 =	por $0x1, $0x1;
	[sflag:s12] =	ssyncset.done $0x0  }
0x21: {  	s28 =	simm.s32 @!p1 $0x0;
	[sflag:s12] =	ssyncadd.s32 $0xFFFFD8F0  }
0x22: {  	s29 =	simm.s32 @!p1 $0x2800;
	s30 =	simm.s32 @!p1 $0x3;
	[bflag:$0x0] =	sbarrier.arrive $0xFFFF  }
0x23: {  	[tilespmem:s29], [sflag:$0x3] =	stream.linear.gather @!p1 [hbm4b:s8+s28], $0x1400, $0x38;
	[tilespmem:$0x1F480] =	vst v63  }
0x24: {  	_ =	swait.ge @!p1 [sflag:s30], $0x1400  }
0x25: {  	[sflag:s30] =	ssyncset.done @!p1 $0x0  }
0x26: {  	s28 =	simm.s32 $0xFFFFB000;
	[sflag:s30] =	ssyncadd.s32 @!p1 $0xFFFFEC00  }
0x27: {  	s29 =	simm.s32 $0x0;
	p1 =	por $0x0, $0x0;
	_ =	swait.ge [sflag:s18], $0x3E80  }
0x28: {  	s29 =	smov.u32 @p1 s28;
	[sflag:s18] =	ssyncset.done $0x0  }
0x29: {  	s28 =	simm.s32 $0x80;
	s29 =	sshra.s32 s29, $0x2;
	[sflag:s18] =	ssyncadd.s32 $0xFFFFC180  }
0x2a: {  	[tilespmem:s19], [sflag:$0x2] =	stream.indirect.gather [hbm4b:s4+s14], $0x80, s28, s14, $0xb8;
	[tilespmem:$0x1F480] =	vst v63  }
0x2b: {  	s28 =	sadd.s32 $0x2800, s29  }
0x2c: {  	[spmem:s2] =	stream.indirect.scatter.add.f32 [tilespmem:s15], [sflag:$0x3], $0x80, s28, s14, $0xb8;
	[tilespmem:$0x1F480] =	vst v63  }
0x2d: {  	_ =	swait.ge [sflag:s12], $0x3E80  }
0x2e: {  	[sflag:s12] =	ssyncset.done $0x0  }
0x2f: {  	[sflag:s12] =	ssyncadd.s32 $0xFFFFC180  }
0x30: {  	_ =	swait.ge [sflag:s20], $0x3E80  }
0x31: {  	[sflag:s20] =	ssyncset.done $0x0  }
0x32: {  	s28 =	simm.s32 $0x100;
	[sflag:s20] =	ssyncadd.s32 $0xFFFFC180  }
0x33: {  	[tilespmem:s15], [sflag:$0x1] =	stream.indirect.gather [hbm4b:s4+s14], $0x80, s28, s14, $0xb8;
	[tilespmem:$0x1F480] =	vst v63  }
0x34: {  	s30 =	simm.s32 $0x800;
	s28 =	sadd.s32 $0x2880, s29  }
0x35: {  	[spmem:s2] =	stream.indirect.scatter.add.f32 [tilespmem:s19], [sflag:$0x3], $0x80, s28, s14, $0xb8;
	[tilespmem:$0x1F480] =	vst v63  }
0x36: {  	s29 =	simm.s32 $0x1;
	s28 =	simm.s32 $0x400;
	_ =	swait.ge [sflag:s12], $0x3E80  }
.LBB2_2:
0x37: {  	p2 =	sne.s32 s28, $0x5000  }
0x38: {  	[sflag:s12] =	ssyncset.done $0x0;
	s31 =	smov.u32 s30;
	s30 =	sadd.s32 $0x400, s30  }
0x39: {  	s0 =	simm.s32 @!p2 $0x0;
	s1 =	simm.s32 @!p2 $0x2800;
	s13 =	simm.s32 @!p2 $0x3  }
0x3a: {  	p1 =	sne.s32 s30, $0x9C00;
	[sflag:s12] =	ssyncadd.s32 $0xFFFFC180  }
0x3b: {  	[tilespmem:s1], [sflag:$0x3] =	stream.linear.gather @!p2 [hbm4b:s8+s0], $0x1400, $0x38;
	[tilespmem:$0x1F480] =	vst v63  }
0x3c: {  	_ =	swait.ge @!p2 [sflag:s13], $0x1400  }
0x3d: {  	[sflag:s13] =	ssyncset.done @!p2 $0x0  }
0x3e: {  	s0 =	sadd.s32 $0xFFFFB000, s28;
	[sflag:s13] =	ssyncadd.s32 @!p2 $0xFFFFEC00  }
0x3f: {  	s1 =	sshra.s32 s28, $0x2;
	p2 =	sgt.u32 s29, $0x13;
	_ =	swait.ge [sflag:s18], $0x3E80  }
0x40: {  	s13 =	sadd.s32 $0x80, s1;
	s28 =	smov.u32 @p2 s0;
	[sflag:s18] =	ssyncset.done $0x0  }
0x41: {  	s0 =	sshra.s32 s28, $0x2;
	s28 =	smov.u32 s31;
	[sflag:s18] =	ssyncadd.s32 $0xFFFFC180  }
0x42: {  	[tilespmem:s19], [sflag:$0x2] =	stream.indirect.gather [hbm4b:s4+s14], $0x80, s13, s14, $0xb8;
	[tilespmem:$0x1F480] =	vst v63  }
0x43: {  	s13 =	sadd.s32 $0x2800, s0  }
0x44: {  	[spmem:s2] =	stream.indirect.scatter.add.f32 [tilespmem:s15], [sflag:$0x3], $0x80, s13, s14, $0xb8;
	[tilespmem:$0x1F480] =	vst v63  }
0x45: {  	_ =	swait.ge [sflag:s12], $0x3E80  }
0x46: {  	[sflag:s12] =	ssyncset.done $0x0  }
0x47: {  	[sflag:s12] =	ssyncadd.s32 $0xFFFFC180  }
0x48: {  	_ =	swait.ge [sflag:s20], $0x3E80  }
0x49: {  	s1 =	sadd.s32 $0x100, s1;
	[sflag:s20] =	ssyncset.done $0x0  }
.Ltmp0:
0x4a: {  	s0 =	sadd.s32 $0x2880, s0;
	[sflag:s20] =	ssyncadd.s32 $0xFFFFC180;
	(pc) =	sbr.rel @p1 .LBB2_2-.Ltmp0, $4  }
0x4b: {  	[tilespmem:s15], [sflag:$0x1] =	stream.indirect.gather [hbm4b:s4+s14], $0x80, s1, s14, $0xb8;
	[tilespmem:$0x1F480] =	vst v63  }
0x4c: {  	_ = 	snop  }
0x4d: {  	[spmem:s2] =	stream.indirect.scatter.add.f32 [tilespmem:s19], [sflag:$0x3], $0x80, s0, s14, $0xb8;
	[tilespmem:$0x1F480] =	vst v63  }
0x4e: {  	s29 =	sadd.s32 $0x1, s29;
	_ =	swait.ge [sflag:s12], $0x3E80  }
0x4f: {  	p1 =	sne.s32 s28, $0x5000  }
0x50: {  	[sflag:s12] =	ssyncset.done $0x0;
	s0 =	simm.s32 @!p1 $0x0  }
0x51: {  	s1 =	simm.s32 @!p1 $0x2800;
	s13 =	simm.s32 @!p1 $0x3;
	[sflag:s12] =	ssyncadd.s32 $0xFFFFC180  }
0x52: {  	[tilespmem:s1], [sflag:$0x3] =	stream.linear.gather @!p1 [hbm4b:s8+s0], $0x1400, $0x38;
	[tilespmem:$0x1F480] =	vst v63  }
0x53: {  	_ =	swait.ge @!p1 [sflag:s13], $0x1400  }
0x54: {  	[sflag:s13] =	ssyncset.done @!p1 $0x0  }
0x55: {  	[sflag:s13] =	ssyncadd.s32 @!p1 $0xFFFFEC00  }
0x56: {  	s0 =	sadd.s32 $0xFFFFB000, s28;
	p1 =	sgt.u32 s29, $0x13;
	_ =	swait.ge [sflag:s18], $0x3E80  }
0x57: {  	s31 =	sshra.s32 s28, $0x2;
	s28 =	smov.u32 @p1 s0;
	[sflag:s18] =	ssyncset.done $0x0  }
0x58: {  	s13 =	sadd.s32 $0x80, s31;
	s28 =	sshra.s32 s28, $0x2;
	[sflag:s18] =	ssyncadd.s32 $0xFFFFC180  }
0x59: {  	[tilespmem:s19], [sflag:$0x2] =	stream.indirect.gather [hbm4b:s4+s14], $0x80, s13, s14, $0xb8;
	[tilespmem:$0x1F480] =	vst v63  }
0x5a: {  	s29 =	sadd.s32 $0x2800, s28  }
0x5b: {  	[spmem:s2] =	stream.indirect.scatter.add.f32 [tilespmem:s15], [sflag:$0x3], $0x80, s29, s14, $0xb8;
	[tilespmem:$0x1F480] =	vst v63  }
0x5c: {  	_ =	swait.ge [sflag:s12], $0x3E80  }
0x5d: {  	[sflag:s12] =	ssyncset.done $0x0  }
0x5e: {  	[sflag:s12] =	ssyncadd.s32 $0xFFFFC180  }
0x5f: {  	_ =	swait.ge [sflag:s20], $0x3E80  }
0x60: {  	[sflag:s20] =	ssyncset.done $0x0  }
0x61: {  	s30 =	sadd.s32 $0x100, s31;
	[sflag:s20] =	ssyncadd.s32 $0xFFFFC180  }
0x62: {  	[tilespmem:s15], [sflag:$0x1] =	stream.indirect.gather [hbm4b:s4+s14], $0x80, s30, s14, $0xb8;
	[tilespmem:$0x1F480] =	vst v63  }
0x63: {  	s31 =	sadd.s32 $0x2880, s28  }
0x64: {  	[spmem:s2] =	stream.indirect.scatter.add.f32 [tilespmem:s19], [sflag:$0x3], $0x80, s31, s14, $0xb8;
	[tilespmem:$0x1F480] =	vst v63  }
0x65: {  	_ =	swait.ge [sflag:s12], $0x3E80  }
0x66: {  	[sflag:s12] =	ssyncset.done $0x0  }
0x67: {  	[sflag:s12] =	ssyncadd.s32 $0xFFFFC180  }
0x68: {  	_ =	swait.ge [sflag:s18], $0x3E80  }
0x69: {  	[sflag:s18] =	ssyncset.done $0x0  }
0x6a: {  	[sflag:s18] =	ssyncadd.s32 $0xFFFFC180  }
0x6b: {  	[tilespmem:s19], [sflag:$0x2] =	stream.indirect.gather [hbm4b:s4+s14], $0x80, s21, s14, $0xb8;
	[tilespmem:$0x1F480] =	vst v63  }
0x6c: {  	_ = 	snop  }
0x6d: {  	[spmem:s2] =	stream.indirect.scatter.add.f32 [tilespmem:s15], [sflag:$0x3], $0x80, s22, s14, $0xb8;
	[tilespmem:$0x1F480] =	vst v63  }
0x6e: {  	_ =	swait.ge [sflag:s12], $0x3E80  }
0x6f: {  	[sflag:s12] =	ssyncset.done $0x0  }
0x70: {  	[sflag:s12] =	ssyncadd.s32 $0xFFFFC180  }
0x71: {  	_ =	swait.ge [sflag:s20], $0x3E80  }
0x72: {  	[sflag:s20] =	ssyncset.done $0x0  }
0x73: {  	[sflag:s20] =	ssyncadd.s32 $0xFFFFC180  }
0x74: {  	[spmem:s2] =	stream.indirect.scatter.add.f32 [tilespmem:s19], [sflag:$0x3], $0x80, s23, s14, $0xb8;
	[tilespmem:$0x1F480] =	vst v63  }
0x75: {  	_ =	swait.ge [sflag:s12], $0x3E80  }
0x76: {  	[sflag:s12] =	ssyncset.done $0x0  }
0x77: {  	[sflag:s12] =	ssyncadd.s32 $0xFFFFC180  }
0x78: {  	s0 =	simm.s32 @p0 $0x3;
	[bflag:$0x0] =	sbarrier.arrive $0xFFFF  }
0x79: {  	[hbm:s10], [sflag:s16] =	dma.local @p0 [spmem:s24], $0x2080  }
0x7a: {  	s26 =	sadd.s32 $0x1, s26;
	_ =	swait.ge @p0 [sflag:s0], $0x2080  }
0x7b: {  	p1 =	sne.s32 s26, s11;
	[sflag:s0] =	ssyncset.done @p0 $0x0  }
.Ltmp1:
0x7c: {  	[sflag:s0] =	ssyncadd.s32 @p0 $0xFFFFDF80;
	s0 =	simm.s32 @!p0 $0x3;
	(pc) =	sbr.rel @p1 .LBB2_1-.Ltmp1, $4  }
0x7d: {  	[hbm:s9], [sflag:s16] =	dma.local @!p0 [spmem:s25], $0x2780  }
0x7e: {  	_ =	swait.ge @!p0 [sflag:s0], $0x2780  }
0x7f: {  	[sflag:s0] =	ssyncset.done @!p0 $0x0  }
0x80: {  	[sflag:s0] =	ssyncadd.s32 @!p0 $0xFFFFD880  }
0x81: {  	_ =	sfence.sel $0x180000  }
0x82: {  	[bflag:$0x0] =	sbarrier.arrive $0xFFFF  }
0x83: {  	_ =	strace $0x9000004A  }
0x84: {  	s0 =	stileid.u32;
	[bflag:$0x2] =	sbarrier.arrive $0xFFFF  }
0x85: {  	p0 =	sne.s32 s0, $0x0;
	s0 =	rddreg [dreg:$0x3]  }
0x86: {  	s0 =	sadd.s32 @!p0 $0x100000, s0  }
0x87: {  	[sflag:s0] =	ssyncadd.tile.s32 @!p0 $0x1;
	_ =	shalt  }
.Lfunc_end2:
_tile_overlayer_lowered:
.L_overlay_start_2:
0x88: {  	(tag) =	ssettag $0x2  }
0x89: {  	s0 =	rddreg [dreg:$0x0];
	s2 =	stileid.u32  }
0x8a: {  	s1 =	rddreg [dreg:$0x1];
	p0 =	sne.s32 s2, $0x0  }
0x8b: {  	s3 =	rddreg [dreg:$0x2];
	[bflag:$0x3] =	sbarrier.arrive $0xFFFF;
	s2 =	simm.s32 @!p0 $0x1C03  }
0x8c: {  	[timem:s3], [sflag:s2] =	dma.local @!p0 [hbm:s0], s1  }
0x8d: {  	s0 =	simm.s32 @!p0 $0x3  }
0x8e: {  	_ =	swait.ge @!p0 [sflag:s0], s1  }
0x8f: {  	s1 =	ssub.s32 @!p0 $0x0, s1;
	[sflag:s0] =	ssyncset.done @!p0 $0x0  }
0x90: {  	[sflag:s0] =	ssyncadd.s32 @!p0 s1  }
0x91: {  	[bflag:$0x3] =	sbarrier.arrive $0xFFFF  }
0x92: {  	_ =	shalt  }

// kernel: kernel.7.cloned.1.call-start
scs
__scs_entry_jumppad:
0x0: {  	(pc) =	sbr.rel $0x88, $3  }
0x1: {  	(tag) =	ssettag $0x0;
	lr =	simm.s32 $0x1  }
0x2: {  	[smem:$0x3F91] =	sst lr;
	_ =	strace $0xD0000000  }
0x3: {  	_ = 	snop  }
0x4: {  	_ = 	snop  }
0x5: {  	_ = 	snop  }
0x6: {  	_ = 	snop  }
0x7: {  	_ = 	snop  }
__scs_overlays_trampoline_lowered:
0x8: {  	[smem:$0x3FA0] =	sst s0  }
0x9: {  	[smem:$0x3FA1] =	sst s1  }
0xa: {  	[smem:$0x3FA2] =	sst s2  }
0xb: {  	[smem:$0x3FA3] =	sst s3  }
0xc: {  	[smem:$0x3FA4] =	sst s4  }
0xd: {  	[smem:$0x3FA5] =	sst s5  }
0xe: {  	[smem:$0x3FA6] =	sst s6  }
0xf: {  	[smem:$0x3FA7] =	sst s7  }
0x10: {  	[smem:$0x3FA8] =	sst s8  }
0x11: {  	[smem:$0x3FA9] =	sst s9;
	s0 =	simm.s32 @!p0 $0x0  }
0x12: {  	s1 =	sld [smem:$0x3F8F];
	s0 =	simm.s32 @p0 $0x1  }
0x13: {  	[smem:$0x3FAA] =	sst s0;
	s0 =	simm.s32 @!p1 $0x0  }
0x14: {  	s2 =	sld [smem:$0x3F8E];
	s0 =	simm.s32 @p1 $0x1  }
0x15: {  	[smem:$0x3FAB] =	sst s0;
	s0 =	simm.s32 @!p2 $0x0  }
0x16: {  	s3 =	sld [smem:$0x3FDB];
	s0 =	simm.s32 @p2 $0x1  }
0x17: {  	s4 =	simm.s32 $0x1BF5;
	[smem:$0x3FAD] =	sst s0  }
0x18: {  	s0 =	sld [smem:$0x3F90];
	_ =	swait.ge [sflag:s4], $0x0  }
0x19: {  	s7 =	sld [smem:$0x3F91]  }
0x1a: {  	s8 =	sadd.s32 $0xFFFFE003, lr  }
0x1b: {  	s9 =	sadd.s32 $0xFFFFFEF7, lr;
	s5 =	simm.s32 $0xFFFFFFFF;
	p2 =	slt.u32 s8, $0xFFFFF086  }
0x1c: {  	p1 =	slt.u32 s9, $0xF7A;
	s5 =	simm.s32 @!p2 $0x0  }
0x1d: {  	s5 =	simm.s32 @p1 $0x1;
	p0 =	seq.s32 s7, s2  }
0x1e: {  	s7 =	smul.u32 @!p0 $0xF7A, s2;
	p2 =	seq.s32 @!p0 s5, $0x0  }
0x1f: {  	s9 =	smul.u32 $0xF7A, s1;
	s8 =	simm.s32 @!p0 $0x1BF5;
	p2 =	por !p2, p0  }
0x20: {  	[sflag:s8] =	ssyncset.s32 @!p0 $0xFFFFF086;
	s6 =	sadd.s32 @!p0 s3, s7;
	s7 =	simm.s32 @!p0 $0x108  }
0x21: {  	s3 =	sadd.s32 s3, s9;
	s6 =	sadd.s32 @!p0 $0x88, s6;
	s7 =	simm.s32 @p2 $0x1082  }
0x22: {  	[simem:s7], [sflag:s8] =	dma.local @!p0 [hbm:s6], $0xF7A  }
0x23: {  	s9 =	sor.u32 $0xD0000000, s2;
	s6 =	simm.s32 $0x108;
	_ =	swait.ge @!p0 [sflag:s8], $0x0  }
0x24: {  	s3 =	sadd.s32 $0x88, s3;
	s6 =	simm.s32 @!p1 $0x1082;
	[sflag:s4] =	ssyncset.s32 $0xFFFFF086  }
0x25: {  	[simem:s6], [sflag:s4] =	dma.local [hbm:s3], $0xF7A  }
0x26: {  	[smem:$0x3F91] =	sst s1;
	(tag) =	ssettag s2;
	_ =	strace s9  }
0x27: {  	s1 =	sld [smem:$0x3FA1]  }
0x28: {  	s2 =	sld [smem:$0x3FA2]  }
0x29: {  	s4 =	sld [smem:$0x3FA4]  }
0x2a: {  	p0 =	seq.s32 s5, $0x0;
	s5 =	sld [smem:$0x3FA5]  }
0x2b: {  	s6 =	sld [smem:$0x3FA6]  }
0x2c: {  	s7 =	sld [smem:$0x3FA7]  }
0x2d: {  	s3 =	simm.s32 $0x108;
	s8 =	sld [smem:$0x3FA8]  }
0x2e: {  	s3 =	simm.s32 @!p0 $0x1082;
	s9 =	sld [smem:$0x3FA9]  }
0x2f: {  	lr =	sadd.s32 s0, s3;
	s0 =	sld [smem:$0x3FA0]  }
0x30: {  	s3 =	sld [smem:$0x3FA3]  }
0x31: {  	[smem:$0x3FAC] =	sst s10  }
0x32: {  	s10 =	sld [smem:$0x3FAA];
	_ =	sdelay $0x3  }
0x33: {  	p0 =	seq.s32 s10, $0x1;
	s10 =	sld [smem:$0x3FAC];
	_ =	sdelay $0x3  }
0x34: {  	[smem:$0x3FAC] =	sst s10  }
0x35: {  	s10 =	sld [smem:$0x3FAB];
	_ =	sdelay $0x3  }
0x36: {  	p1 =	seq.s32 s10, $0x1;
	s10 =	sld [smem:$0x3FAC];
	_ =	sdelay $0x3  }
0x37: {  	[smem:$0x3FAC] =	sst s10  }
0x38: {  	s10 =	sld [smem:$0x3FAD]  }
0x39: {  	_ = 	snop;
	(pc) =	sbr.ind lr, $3  }
0x3a: {  	_ = 	snop  }
0x3b: {  	_ = 	snop  }
0x3c: {  	p2 =	seq.s32 s10, $0x1;
	s10 =	sld [smem:$0x3FAC]  }
0x3d: {  	_ =	shalt  }
0x3e: {  	_ =	shalt  }
0x3f: {  	_ =	shalt  }
0x40: {  	_ =	shalt  }
0x41: {  	_ =	shalt  }
0x42: {  	_ =	shalt  }
0x43: {  	_ =	shalt  }
0x44: {  	_ =	shalt  }
0x45: {  	_ =	shalt  }
0x46: {  	_ =	shalt  }
0x47: {  	_ =	shalt  }
0x48: {  	_ =	shalt  }
0x49: {  	_ =	shalt  }
0x4a: {  	_ =	shalt  }
0x4b: {  	_ =	shalt  }
0x4c: {  	_ =	shalt  }
0x4d: {  	_ =	shalt  }
0x4e: {  	_ =	shalt  }
0x4f: {  	_ =	shalt  }
0x50: {  	_ =	shalt  }
0x51: {  	_ =	shalt  }
0x52: {  	_ =	shalt  }
0x53: {  	_ =	shalt  }
0x54: {  	_ =	shalt  }
0x55: {  	_ =	shalt  }
0x56: {  	_ =	shalt  }
0x57: {  	_ =	shalt  }
0x58: {  	_ =	shalt  }
0x59: {  	_ =	shalt  }
0x5a: {  	_ =	shalt  }
0x5b: {  	_ =	shalt  }
0x5c: {  	_ =	shalt  }
0x5d: {  	_ =	shalt  }
0x5e: {  	_ =	shalt  }
0x5f: {  	_ =	shalt  }
0x60: {  	_ =	shalt  }
0x61: {  	_ =	shalt  }
0x62: {  	_ =	shalt  }
0x63: {  	_ =	shalt  }
0x64: {  	_ =	shalt  }
0x65: {  	_ =	shalt  }
0x66: {  	_ =	shalt  }
0x67: {  	_ =	shalt  }
0x68: {  	_ =	shalt  }
0x69: {  	_ =	shalt  }
0x6a: {  	_ =	shalt  }
0x6b: {  	_ =	shalt  }
0x6c: {  	_ =	shalt  }
0x6d: {  	_ =	shalt  }
0x6e: {  	_ =	shalt  }
0x6f: {  	_ =	shalt  }
0x70: {  	_ =	shalt  }
0x71: {  	_ =	shalt  }
0x72: {  	_ =	shalt  }
0x73: {  	_ =	shalt  }
0x74: {  	_ =	shalt  }
0x75: {  	_ =	shalt  }
0x76: {  	_ =	shalt  }
0x77: {  	_ =	shalt  }
0x78: {  	_ =	shalt  }
0x79: {  	_ =	shalt  }
0x7a: {  	_ =	shalt  }
0x7b: {  	_ =	shalt  }
0x7c: {  	_ =	shalt  }
0x7d: {  	_ =	shalt  }
0x7e: {  	_ =	shalt  }
0x7f: {  	_ =	shalt  }
0x80: {  	_ =	shalt  }
0x81: {  	_ =	shalt  }
0x82: {  	_ =	shalt  }
0x83: {  	_ =	shalt  }
0x84: {  	_ =	shalt  }
0x85: {  	_ =	shalt  }
0x86: {  	_ =	shalt  }
0x87: {  	_ =	shalt  }
.Lfunc_end0:
.L_simem_size_0:
called_computation_lowered:
.L_overlay_start_0:
0x88: {  	s2 =	sld [smem:$0x3FD9]  }
0x89: {  	s3 =	sld [smem:$0x3FFE];
	_ =	sdelay $0x1  }
0x8a: {  	s1 =	srdreg.scid  }
0x8b: {  	s0 =	sand.u32 $0x1, s1  }
0x8c: {  	s17 =	sshll.u32 s0, $0xA;
	s2 =	sadd.s32 s3, s2  }
0x8d: {  	s2 =	sadd.s32 s2, s17  }
0x8e: {  	[smem:$0x3FB8] =	sst s2  }
0x8f: {  	_ = 	snop  }
0x90: {  	s2 =	sld [smem:$0x3FD0];
	(tm) =	ssettm $0x1  }
0x91: {  	s18 =	sld [smem:$0x3FFB];
	_ =	sdelay $0x3  }
0x92: {  	_ =	strace s18  }
0x93: {  	s3 =	sld [smem:$0x3FFC];
	_ =	sdelay $0x3  }
0x94: {  	_ =	strace s3  }
0x95: {  	s3 =	sld [smem:$0x3FFD];
	_ =	sdelay $0x3  }
0x96: {  	_ =	strace s3  }
0x97: {  	_ =	strace $0x8FFFFFFF  }
0x98: {  	s19 =	sld [smem:$0x3FDB];
	_ =	sdelay $0x1  }
0x99: {  	s4 =	simm.s32 $_scs_section_size  }
0x9a: {  	s5 =	simm.s32 $_size__tile_overlayer_lowered;
	s6 =	simm.s32 $_tile_overlayer_lowered  }
0x9b: {  	s22 =	simm.s32 $0x1BFF;
	s21 =	sshll.u32 s6, $0x1;
	s3 =	sadd.s32 s4, s19  }
0x9c: {  	s7 =	simm.s32 $0x0;
	s20 =	sshll.u32 s5, $0x1;
	s5 =	sadd.s32 s21, s3  }
0x9d: {  	[timem:s7], [sflag:s22] =	dma.local [hbm:s5], s20  }
0x9e: {  	_ =	swait.ge [sflag:s22], s20  }
0x9f: {  	s4 =	ssub.s32 $0x0, s20;
	[sflag:s22] =	ssyncset.done $0x0  }
0xa0: {  	[sflag:s22] =	ssyncadd.s32 s4;
	_ =	sdelay $0x1  }
0xa1: {  	s23 =	simm.s32 $0x1B8B  }
0xa2: {  	_ =	swait.ge [sflag:s23], $0x1  }
0xa3: {  	[sflag:s23] =	ssyncset.done $0x0  }
0xa4: {  	s25 =	simm.s32 $0x1B8E;
	s24 =	sld [smem:$0x3FFE];
	[sflag:s23] =	ssyncadd.s32 $0xFFFFFFFF  }
0xa5: {  	s26 =	simm.s32 $execute0_lowered;
	[smem:$0x3FD2] =	sst s25  }
0xa6: {  	s5 =	sshll.u32 s26, $0x1;
	_ =	strace $0x80000046;
	[dreg:$0x1] =	wrdreg $0xFFFFFFFF  }
0xa7: {  	s28 =	simm.s32 $_size_execute0_lowered;
	s3 =	sadd.s32 s3, s5;
	[dreg:$0x0] =	wrdreg $0x0  }
0xa8: {  	s5 =	sshll.u32 s28, $0x1;
	[dreg:$0x2] =	wrdreg s3  }
0xa9: {  	[dreg:$0x3] =	wrdreg s5  }
0xaa: {  	[dreg:$0x4] =	wrdreg $0xC0  }
0xab: {  	_ =	task [dreg:s7], $0x5FFFF  }
0xac: {  	[dreg:$0x1] =	wrdreg $0xFFFFFFFF  }
0xad: {  	[dreg:$0x0] =	wrdreg $0x60  }
0xae: {  	[dreg:$0x2] =	wrdreg s24  }
0xaf: {  	[dreg:$0x3] =	wrdreg s2  }
0xb0: {  	[dreg:$0x4] =	wrdreg $0xBC000  }
0xb1: {  	[dreg:$0x5] =	wrdreg $0x9  }
0xb2: {  	_ =	task.clear_ibuf [dreg:s7], $0x6FFFF;
	_ =	strace $0x90000046  }
0xb3: {  	s29 =	simm.s32 $0x9;
	_ =	strace $0x80000048  }
0xb4: {  	_ =	swait.ge [sflag:s29], $0x1  }
0xb5: {  	[sflag:s29] =	ssyncadd.s32 $0xFFFFFFFF  }
0xb6: {  	_ =	strace $0x90000048  }
0xb7: {  	_ =	sfence  }
0xb8: {  	s30 =	sld [smem:$0x0];
	_ =	sdelay $0x2  }
0xb9: {  	s31 =	sshll.u32 s1, $0xD;
	s1 =	sshrl.u32 s1, $0x2  }
0xba: {  	s3 =	sand.u32 $0x4000, s31;
	s1 =	sadd.s32 s1, s30  }
0xbb: {  	s0 =	sor.u32 s3, s0;
	s1 =	sshll.u32 s1, $0x11  }
0xbc: {  	s0 =	sor.u32 s1, s0  }
0xbd: {  	s0 =	sadd.s32 $0x8F2B, s0  }
0xbe: {  	[sflag:s0] =	ssyncadd.remote.s32 $0x1  }
0xbf: {  	_ =	sfence.sel $0xFFFF  }
0xc0: {  	[dreg:$0x0] =	wrdreg $0xFFFFFFFF;
	(pc) =	sbr.abs _section_cstart, $3  }
0xc1: {  	[dreg:$0x1] =	wrdreg $0xFFFFFFFF  }
0xc2: {  	_ =	task.clear_ibuf [dreg:s7], $0x2FFFF;
	_ =	strace $0x9FFFFFFF  }
0xc3: {  	(tm) =	ssettm $0x7FFFFFFF  }
tec
execute0_lowered:
.L_overlay_start_1:
0x0: {  	(tag) =	ssettag $0x1  }
0x1: {  	s6 =	rddreg [dreg:$0x0]  }
0x2: {  	s7 =	rddreg [dreg:$0x1]  }
0x3: {  	s2 =	rddreg [dreg:$0x2];
	s3 =	simm.s32 $0x0;
	s0 =	stileid.u32  }
0x4: {  	s5 =	srdreg.scid;
	s15 =	simm.s32 $0x3C00;
	s18 =	simm.s32 $0x1  }
0x5: {  	s19 =	simm.s32 $0x7C00;
	s20 =	simm.s32 $0x2;
	s8 =	smul.u32 $0x2800, s0  }
0x6: {  	s21 =	simm.s32 $0x2780;
	[smem:$0x7FF] =	sst s3;
	s13 =	smul.u32 $0x4E200, s0  }
0x7: {  	s4 =	sadd.s32 $0x7400, s6;
	s10 =	sand.u32 $0x1, s5;
	s26 =	smul.u32 $0x13C00, s0  }
0x8: {  	s5 =	sadd.s32 $0xA3800, s6;
	s12 =	sadd.s32 $0xA6000, s6;
	s29 =	smul.u32 $0x4F000, s0  }
0x9: {  	s24 =	sadd.s32 $0x128400, s2;
	s16 =	sshll.u32 s0, $0x6;
	p0 =	seq.s32 s0, $0xF  }
0xa: {  	_ =	strace $0x80000047;
	s11 =	smul.u32 $0x28000, s10;
	s22 =	ssub.s32 $0x2, s10  }
0xb: {  	s10 =	smul.u32 $0x138800, s10;
	s16 =	sor.u32 $0x1C03, s16;
	s24 =	sshrl.u32 @p0 s24, $0x3  }
0xc: {  	s9 =	sshrl.u32 s8, $0x3;
	s14 =	sshrl.u32 s22, $0x1;
	s13 =	sshrl.u32 s13, $0x2  }
0xd: {  	s31 =	sshrl.u32 s29, $0x2;
	s9 =	sadd.s32 s9, s6;
	s8 =	sadd.s32 s8, s11  }
0xe: {  	s23 =	ssub.s32 s22, s14;
	s17 =	sadd.s32 s13, s2;
	s28 =	sadd.s32 s26, s10  }
0xf: {  	s10 =	sshrl.u32 s10, $0x3;
	s14 =	simm.s32 $0x7D;
	s22 =	simm.s32 $0x3B00  }
0x10: {  	s26 =	simm.s32 $0x0;
	s25 =	sshrl.u32 s8, $0x3;
	s8 =	sadd.s32 $0x2680, s9  }
0x11: {  	s30 =	sshrl.u32 s28, $0x3;
	s10 =	sadd.s32 s12, s10;
	s11 =	smax.u32 s23, $0x1  }
0x12: {  	s17 =	sshrl.u32 s17, $0x3;
	s23 =	simm.s32 $0x3B80;
	s6 =	sadd.s32 s7, s25  }
0x13: {  	s7 =	sadd.s32 $0x2400, s9;
	s9 =	sadd.s32 s12, s30;
	s25 =	sadd.s32 s31, s2  }
0x14: {  	s10 =	sadd.s32 $0x25080, s10;
	s12 =	simm.s32 $0x3;
	s25 =	sshrl.u32 @!p0 s25, $0x3  }
.LBB2_1:
0x15: {  	[tilespmem:s3], [sflag:$0x3] =	stream.linear.gather [hbm4b:s6+s3], $0x2800, $0x38;
	[tilespmem:$0x1F480] =	vst v63  }
0x16: {  	_ =	swait.ge [sflag:s12], $0x2800  }
0x17: {  	[sflag:s12] =	ssyncset.done $0x0  }
0x18: {  	s0 =	simm.s32 $0x2800;
	[sflag:s12] =	ssyncadd.s32 $0xFFFFD800  }
0x19: {  	[tilespmem:s0], [sflag:$0x3] =	stream.linear.gather [hbm4b:s7+s3], $0x1400, $0x38;
	[tilespmem:$0x1F480] =	vst v63  }
0x1a: {  	_ =	swait.ge [sflag:s12], $0x1400  }
0x1b: {  	[sflag:s12] =	ssyncset.done $0x0  }
0x1c: {  	[sflag:s12] =	ssyncadd.s32 $0xFFFFEC00  }
0x1d: {  	[tilespmem:s15], [sflag:$0x1] =	stream.indirect.gather [hbm4b:s4+s14], $0x80, s3, s14, $0xb8;
	[tilespmem:$0x1F480] =	vst v63  }
0x1e: {  	[spmem:s17], [sflag:s16] =	dma.local [hbm:s5], $0x2710  }
0x1f: {  	_ =	swait.ge [sflag:s12], $0x2710  }
0x20: {  	p1 =	por $0x1, $0x1;
	[sflag:s12] =	ssyncset.done $0x0  }
0x21: {  	s28 =	simm.s32 @!p1 $0x0;
	[sflag:s12] =	ssyncadd.s32 $0xFFFFD8F0  }
0x22: {  	s29 =	simm.s32 @!p1 $0x2800;
	s30 =	simm.s32 @!p1 $0x3;
	[bflag:$0x0] =	sbarrier.arrive $0xFFFF  }
0x23: {  	[tilespmem:s29], [sflag:$0x3] =	stream.linear.gather @!p1 [hbm4b:s8+s28], $0x1400, $0x38;
	[tilespmem:$0x1F480] =	vst v63  }
0x24: {  	_ =	swait.ge @!p1 [sflag:s30], $0x1400  }
0x25: {  	[sflag:s30] =	ssyncset.done @!p1 $0x0  }
0x26: {  	s28 =	simm.s32 $0xFFFFB000;
	[sflag:s30] =	ssyncadd.s32 @!p1 $0xFFFFEC00  }
0x27: {  	s29 =	simm.s32 $0x0;
	p1 =	por $0x0, $0x0;
	_ =	swait.ge [sflag:s18], $0x3E80  }
0x28: {  	s29 =	smov.u32 @p1 s28;
	[sflag:s18] =	ssyncset.done $0x0  }
0x29: {  	s28 =	simm.s32 $0x80;
	s29 =	sshra.s32 s29, $0x2;
	[sflag:s18] =	ssyncadd.s32 $0xFFFFC180  }
0x2a: {  	[tilespmem:s19], [sflag:$0x2] =	stream.indirect.gather [hbm4b:s4+s14], $0x80, s28, s14, $0xb8;
	[tilespmem:$0x1F480] =	vst v63  }
0x2b: {  	s28 =	sadd.s32 $0x2800, s29  }
0x2c: {  	[spmem:s2] =	stream.indirect.scatter.add.f32 [tilespmem:s15], [sflag:$0x3], $0x80, s28, s14, $0xb8;
	[tilespmem:$0x1F480] =	vst v63  }
0x2d: {  	_ =	swait.ge [sflag:s12], $0x3E80  }
0x2e: {  	[sflag:s12] =	ssyncset.done $0x0  }
0x2f: {  	[sflag:s12] =	ssyncadd.s32 $0xFFFFC180  }
0x30: {  	_ =	swait.ge [sflag:s20], $0x3E80  }
0x31: {  	[sflag:s20] =	ssyncset.done $0x0  }
0x32: {  	s28 =	simm.s32 $0x100;
	[sflag:s20] =	ssyncadd.s32 $0xFFFFC180  }
0x33: {  	[tilespmem:s15], [sflag:$0x1] =	stream.indirect.gather [hbm4b:s4+s14], $0x80, s28, s14, $0xb8;
	[tilespmem:$0x1F480] =	vst v63  }
0x34: {  	s30 =	simm.s32 $0x800;
	s28 =	sadd.s32 $0x2880, s29  }
0x35: {  	[spmem:s2] =	stream.indirect.scatter.add.f32 [tilespmem:s19], [sflag:$0x3], $0x80, s28, s14, $0xb8;
	[tilespmem:$0x1F480] =	vst v63  }
0x36: {  	s29 =	simm.s32 $0x1;
	s28 =	simm.s32 $0x400;
	_ =	swait.ge [sflag:s12], $0x3E80  }
.LBB2_2:
0x37: {  	p2 =	sne.s32 s28, $0x5000  }
0x38: {  	[sflag:s12] =	ssyncset.done $0x0;
	s31 =	smov.u32 s30;
	s30 =	sadd.s32 $0x400, s30  }
0x39: {  	s0 =	simm.s32 @!p2 $0x0;
	s1 =	simm.s32 @!p2 $0x2800;
	s13 =	simm.s32 @!p2 $0x3  }
0x3a: {  	p1 =	sne.s32 s30, $0x9C00;
	[sflag:s12] =	ssyncadd.s32 $0xFFFFC180  }
0x3b: {  	[tilespmem:s1], [sflag:$0x3] =	stream.linear.gather @!p2 [hbm4b:s8+s0], $0x1400, $0x38;
	[tilespmem:$0x1F480] =	vst v63  }
0x3c: {  	_ =	swait.ge @!p2 [sflag:s13], $0x1400  }
0x3d: {  	[sflag:s13] =	ssyncset.done @!p2 $0x0  }
0x3e: {  	s0 =	sadd.s32 $0xFFFFB000, s28;
	[sflag:s13] =	ssyncadd.s32 @!p2 $0xFFFFEC00  }
0x3f: {  	s1 =	sshra.s32 s28, $0x2;
	p2 =	sgt.u32 s29, $0x13;
	_ =	swait.ge [sflag:s18], $0x3E80  }
0x40: {  	s13 =	sadd.s32 $0x80, s1;
	s28 =	smov.u32 @p2 s0;
	[sflag:s18] =	ssyncset.done $0x0  }
0x41: {  	s0 =	sshra.s32 s28, $0x2;
	s28 =	smov.u32 s31;
	[sflag:s18] =	ssyncadd.s32 $0xFFFFC180  }
0x42: {  	[tilespmem:s19], [sflag:$0x2] =	stream.indirect.gather [hbm4b:s4+s14], $0x80, s13, s14, $0xb8;
	[tilespmem:$0x1F480] =	vst v63  }
0x43: {  	s13 =	sadd.s32 $0x2800, s0  }
0x44: {  	[spmem:s2] =	stream.indirect.scatter.add.f32 [tilespmem:s15], [sflag:$0x3], $0x80, s13, s14, $0xb8;
	[tilespmem:$0x1F480] =	vst v63  }
0x45: {  	_ =	swait.ge [sflag:s12], $0x3E80  }
0x46: {  	[sflag:s12] =	ssyncset.done $0x0  }
0x47: {  	[sflag:s12] =	ssyncadd.s32 $0xFFFFC180  }
0x48: {  	_ =	swait.ge [sflag:s20], $0x3E80  }
0x49: {  	s1 =	sadd.s32 $0x100, s1;
	[sflag:s20] =	ssyncset.done $0x0  }
.Ltmp0:
0x4a: {  	s0 =	sadd.s32 $0x2880, s0;
	[sflag:s20] =	ssyncadd.s32 $0xFFFFC180;
	(pc) =	sbr.rel @p1 .LBB2_2-.Ltmp0, $4  }
0x4b: {  	[tilespmem:s15], [sflag:$0x1] =	stream.indirect.gather [hbm4b:s4+s14], $0x80, s1, s14, $0xb8;
	[tilespmem:$0x1F480] =	vst v63  }
0x4c: {  	_ = 	snop  }
0x4d: {  	[spmem:s2] =	stream.indirect.scatter.add.f32 [tilespmem:s19], [sflag:$0x3], $0x80, s0, s14, $0xb8;
	[tilespmem:$0x1F480] =	vst v63  }
0x4e: {  	s29 =	sadd.s32 $0x1, s29;
	_ =	swait.ge [sflag:s12], $0x3E80  }
0x4f: {  	p1 =	sne.s32 s28, $0x5000  }
0x50: {  	[sflag:s12] =	ssyncset.done $0x0;
	s0 =	simm.s32 @!p1 $0x0  }
0x51: {  	s1 =	simm.s32 @!p1 $0x2800;
	s13 =	simm.s32 @!p1 $0x3;
	[sflag:s12] =	ssyncadd.s32 $0xFFFFC180  }
0x52: {  	[tilespmem:s1], [sflag:$0x3] =	stream.linear.gather @!p1 [hbm4b:s8+s0], $0x1400, $0x38;
	[tilespmem:$0x1F480] =	vst v63  }
0x53: {  	_ =	swait.ge @!p1 [sflag:s13], $0x1400  }
0x54: {  	[sflag:s13] =	ssyncset.done @!p1 $0x0  }
0x55: {  	[sflag:s13] =	ssyncadd.s32 @!p1 $0xFFFFEC00  }
0x56: {  	s0 =	sadd.s32 $0xFFFFB000, s28;
	p1 =	sgt.u32 s29, $0x13;
	_ =	swait.ge [sflag:s18], $0x3E80  }
0x57: {  	s31 =	sshra.s32 s28, $0x2;
	s28 =	smov.u32 @p1 s0;
	[sflag:s18] =	ssyncset.done $0x0  }
0x58: {  	s13 =	sadd.s32 $0x80, s31;
	s28 =	sshra.s32 s28, $0x2;
	[sflag:s18] =	ssyncadd.s32 $0xFFFFC180  }
0x59: {  	[tilespmem:s19], [sflag:$0x2] =	stream.indirect.gather [hbm4b:s4+s14], $0x80, s13, s14, $0xb8;
	[tilespmem:$0x1F480] =	vst v63  }
0x5a: {  	s29 =	sadd.s32 $0x2800, s28  }
0x5b: {  	[spmem:s2] =	stream.indirect.scatter.add.f32 [tilespmem:s15], [sflag:$0x3], $0x80, s29, s14, $0xb8;
	[tilespmem:$0x1F480] =	vst v63  }
0x5c: {  	_ =	swait.ge [sflag:s12], $0x3E80  }
0x5d: {  	[sflag:s12] =	ssyncset.done $0x0  }
0x5e: {  	[sflag:s12] =	ssyncadd.s32 $0xFFFFC180  }
0x5f: {  	_ =	swait.ge [sflag:s20], $0x3E80  }
0x60: {  	[sflag:s20] =	ssyncset.done $0x0  }
0x61: {  	s30 =	sadd.s32 $0x100, s31;
	[sflag:s20] =	ssyncadd.s32 $0xFFFFC180  }
0x62: {  	[tilespmem:s15], [sflag:$0x1] =	stream.indirect.gather [hbm4b:s4+s14], $0x80, s30, s14, $0xb8;
	[tilespmem:$0x1F480] =	vst v63  }
0x63: {  	s31 =	sadd.s32 $0x2880, s28  }
0x64: {  	[spmem:s2] =	stream.indirect.scatter.add.f32 [tilespmem:s19], [sflag:$0x3], $0x80, s31, s14, $0xb8;
	[tilespmem:$0x1F480] =	vst v63  }
0x65: {  	_ =	swait.ge [sflag:s12], $0x3E80  }
0x66: {  	[sflag:s12] =	ssyncset.done $0x0  }
0x67: {  	[sflag:s12] =	ssyncadd.s32 $0xFFFFC180  }
0x68: {  	_ =	swait.ge [sflag:s18], $0x3E80  }
0x69: {  	[sflag:s18] =	ssyncset.done $0x0  }
0x6a: {  	[sflag:s18] =	ssyncadd.s32 $0xFFFFC180  }
0x6b: {  	[tilespmem:s19], [sflag:$0x2] =	stream.indirect.gather [hbm4b:s4+s14], $0x80, s21, s14, $0xb8;
	[tilespmem:$0x1F480] =	vst v63  }
0x6c: {  	_ = 	snop  }
0x6d: {  	[spmem:s2] =	stream.indirect.scatter.add.f32 [tilespmem:s15], [sflag:$0x3], $0x80, s22, s14, $0xb8;
	[tilespmem:$0x1F480] =	vst v63  }
0x6e: {  	_ =	swait.ge [sflag:s12], $0x3E80  }
0x6f: {  	[sflag:s12] =	ssyncset.done $0x0  }
0x70: {  	[sflag:s12] =	ssyncadd.s32 $0xFFFFC180  }
0x71: {  	_ =	swait.ge [sflag:s20], $0x3E80  }
0x72: {  	[sflag:s20] =	ssyncset.done $0x0  }
0x73: {  	[sflag:s20] =	ssyncadd.s32 $0xFFFFC180  }
0x74: {  	[spmem:s2] =	stream.indirect.scatter.add.f32 [tilespmem:s19], [sflag:$0x3], $0x80, s23, s14, $0xb8;
	[tilespmem:$0x1F480] =	vst v63  }
0x75: {  	_ =	swait.ge [sflag:s12], $0x3E80  }
0x76: {  	[sflag:s12] =	ssyncset.done $0x0  }
0x77: {  	[sflag:s12] =	ssyncadd.s32 $0xFFFFC180  }
0x78: {  	s0 =	simm.s32 @p0 $0x3;
	[bflag:$0x0] =	sbarrier.arrive $0xFFFF  }
0x79: {  	[hbm:s10], [sflag:s16] =	dma.local @p0 [spmem:s24], $0x2080  }
0x7a: {  	s26 =	sadd.s32 $0x1, s26;
	_ =	swait.ge @p0 [sflag:s0], $0x2080  }
0x7b: {  	p1 =	sne.s32 s26, s11;
	[sflag:s0] =	ssyncset.done @p0 $0x0  }
.Ltmp1:
0x7c: {  	[sflag:s0] =	ssyncadd.s32 @p0 $0xFFFFDF80;
	s0 =	simm.s32 @!p0 $0x3;
	(pc) =	sbr.rel @p1 .LBB2_1-.Ltmp1, $4  }
0x7d: {  	[hbm:s9], [sflag:s16] =	dma.local @!p0 [spmem:s25], $0x2780  }
0x7e: {  	_ =	swait.ge @!p0 [sflag:s0], $0x2780  }
0x7f: {  	[sflag:s0] =	ssyncset.done @!p0 $0x0  }
0x80: {  	[sflag:s0] =	ssyncadd.s32 @!p0 $0xFFFFD880  }
0x81: {  	_ =	sfence.sel $0x180000  }
0x82: {  	[bflag:$0x0] =	sbarrier.arrive $0xFFFF  }
0x83: {  	_ =	strace $0x90000047  }
0x84: {  	s0 =	stileid.u32;
	[bflag:$0x2] =	sbarrier.arrive $0xFFFF  }
0x85: {  	p0 =	sne.s32 s0, $0x0;
	s0 =	rddreg [dreg:$0x3]  }
0x86: {  	s0 =	sadd.s32 @!p0 $0x100000, s0  }
0x87: {  	[sflag:s0] =	ssyncadd.tile.s32 @!p0 $0x1;
	_ =	shalt  }
.Lfunc_end2:
_tile_overlayer_lowered:
.L_overlay_start_2:
0x88: {  	(tag) =	ssettag $0x2  }
0x89: {  	s0 =	rddreg [dreg:$0x0];
	s2 =	stileid.u32  }
0x8a: {  	s1 =	rddreg [dreg:$0x1];
	p0 =	sne.s32 s2, $0x0  }
0x8b: {  	s3 =	rddreg [dreg:$0x2];
	[bflag:$0x3] =	sbarrier.arrive $0xFFFF;
	s2 =	simm.s32 @!p0 $0x1C03  }
0x8c: {  	[timem:s3], [sflag:s2] =	dma.local @!p0 [hbm:s0], s1  }
0x8d: {  	s0 =	simm.s32 @!p0 $0x3  }
0x8e: {  	_ =	swait.ge @!p0 [sflag:s0], s1  }
0x8f: {  	s1 =	ssub.s32 @!p0 $0x0, s1;
	[sflag:s0] =	ssyncset.done @!p0 $0x0  }
0x90: {  	[sflag:s0] =	ssyncadd.s32 @!p0 s1  }
0x91: {  	[bflag:$0x3] =	sbarrier.arrive $0xFFFF  }
0x92: {  	_ =	shalt  }

</sc_bundles>
